<compile_context>
chip_gen: v7x
topology: tpu7x:2x2x1
jax: 0.10.2.dev20260603
libtpu: 0.0.44.dev20260713+nightly
codegen_flags: <defaults>
</compile_context>

<pallas_src>
import functools

import jax
import jax.numpy as jnp
from jax import lax
from jax.experimental import pallas as pl
from jax.experimental.pallas import tpu as pltpu
from jax.experimental.pallas import tpu_sc as plsc

N = 10000
DEG = 32
D = 128
H = 64
E = N * DEG
NP = 10240
CHUNK = 128
NCHUNK = NP // CHUNK
K_KEEP = 16


def _node_mlp_body(f_ref, wcat_ref, b1_ref, a_ref, b_ref):
    ab = jnp.dot(f_ref[...].astype(jnp.bfloat16),
                 wcat_ref[...].astype(jnp.bfloat16),
                 preferred_element_type=jnp.float32)
    a_ref[...] = ab[:, :H] + b1_ref[...]
    b_ref[...] = jnp.concatenate([ab[:, H:], jnp.zeros_like(ab[:, H:])], axis=1)


def _node_mlp(feat_p, wcat, b1r):
    blk = 1024
    return pl.pallas_call(
        _node_mlp_body,
        grid=(NP // blk,),
        in_specs=[
            pl.BlockSpec((blk, D), lambda i: (i, 0)),
            pl.BlockSpec((D, 2 * H), lambda i: (0, 0)),
            pl.BlockSpec((1, H), lambda i: (0, 0)),
        ],
        out_specs=[
            pl.BlockSpec((blk, H), lambda i: (i, 0)),
            pl.BlockSpec((blk, 2 * H), lambda i: (i, 0)),
        ],
        out_shape=[
            jax.ShapeDtypeStruct((NP, H), jnp.float32),
            jax.ShapeDtypeStruct((NP, 2 * H), jnp.float32),
        ],
    )(feat_p, wcat, b1r)


def _sc_gather_body(b_hbm, colt_hbm, bgt_hbm, colrow,
                    rows0, rows1, rows2, rows3,
                    sem0, sem1, sem2, sem3):
    info = plsc.get_sparse_core_info()
    j = lax.axis_index("s") * info.num_cores + lax.axis_index("c")
    pltpu.sync_copy(colt_hbm.at[j], colrow)
    bufs = (rows0, rows1, rows2, rows3)
    sems = (sem0, sem1, sem2, sem3)

    def _gather(t, k):
        idx = colrow.at[pl.ds(t * CHUNK, CHUNK)]
        return pltpu.make_async_copy(b_hbm.at[idx], bufs[k], sems[k])

    def _write(t, k):
        pltpu.sync_copy(bufs[k], bgt_hbm.at[j, pl.ds(t * CHUNK, CHUNK), :])

    for k in range(4):
        _gather(k, k).start()

    def step(q, carry):
        t0 = 4 * q
        for k in range(4):
            t = t0 + k
            _gather(t, k).wait()
            _write(t, k)

            @pl.when(t + 4 < NCHUNK)
            def _():
                _gather(t + 4, k).start()
        return carry

    lax.fori_loop(0, NCHUNK // 4, step, 0)


def _sc_gather(b_nodes, colt):
    mesh = plsc.VectorSubcoreMesh(core_axis_name="c", subcore_axis_name="s")
    kern = functools.partial(
        pl.kernel,
        out_type=jax.ShapeDtypeStruct((DEG, NP, 2 * H), jnp.float32),
        mesh=mesh,
        scratch_types=[
            pltpu.VMEM((NP,), jnp.int32),
            pltpu.VMEM((CHUNK, 2 * H), jnp.float32),
            pltpu.VMEM((CHUNK, 2 * H), jnp.float32),
            pltpu.VMEM((CHUNK, 2 * H), jnp.float32),
            pltpu.VMEM((CHUNK, 2 * H), jnp.float32),
            pltpu.SemaphoreType.DMA,
            pltpu.SemaphoreType.DMA,
            pltpu.SemaphoreType.DMA,
            pltpu.SemaphoreType.DMA,
        ],
    )(_sc_gather_body)
    return kern(b_nodes, colt)


def _edge_score_body(bgt_ref, a_ref, w2_ref, b2_ref, zt_ref, ssq_ref):
    b = pl.program_id(0)
    q = jnp.maximum(bgt_ref[..., :H] + a_ref[...][None, :, :], 0.0)
    qb = q.astype(jnp.bfloat16).astype(jnp.float32)
    w2b = w2_ref[...].astype(jnp.bfloat16).astype(jnp.float32)
    z = jnp.sum(qb * w2b.reshape(1, 1, H), axis=2) + b2_ref[...]
    node = b * CHUNK + lax.broadcasted_iota(jnp.int32, (DEG, CHUNK), 1)
    z = jnp.where(node < N, z, 0.0)
    zt_ref[...] = z

    @pl.when(b == 0)
    def _():
        ssq_ref[...] = jnp.zeros((1, 1), jnp.float32)

    ssq_ref[...] += jnp.sum(z * z)[None, None]


def _edge_scores(bgt, a_nodes, w2r, b2r):
    return pl.pallas_call(
        _edge_score_body,
        grid=(NCHUNK,),
        in_specs=[
            pl.BlockSpec((DEG, CHUNK, 2 * H), lambda b: (0, b, 0)),
            pl.BlockSpec((CHUNK, H), lambda b: (b, 0)),
            pl.BlockSpec((1, H), lambda b: (0, 0)),
            pl.BlockSpec((1, 1), lambda b: (0, 0)),
        ],
        out_specs=[
            pl.BlockSpec((DEG, CHUNK), lambda b: (0, b)),
            pl.BlockSpec((1, 1), lambda b: (0, 0)),
        ],
        out_shape=[
            jax.ShapeDtypeStruct((DEG, NP), jnp.float32),
            jax.ShapeDtypeStruct((1, 1), jnp.float32),
        ],
    )(bgt, a_nodes, w2r, b2r)


def _topk_body(zt_ref, colt_ref, ssq_ref, out_ref):
    blk = zt_ref.shape[1]
    s = 1.0 / jnp.maximum(jnp.sqrt(ssq_ref[...]), 1e-12)
    zz = zt_ref[...] * s
    m = jnp.max(zz, axis=0, keepdims=True)
    ex = jnp.exp(zz - m)
    den = jnp.sum(ex, axis=0, keepdims=True)
    pi = ex / den
    cnt = jnp.zeros((DEG, blk), jnp.float32)
    for bb in range(DEG):
        cnt += (pi[bb:bb + 1, :] > pi).astype(jnp.float32)
    thr = jnp.min(jnp.where(cnt <= float(K_KEEP - 1), pi, jnp.inf),
                  axis=0, keepdims=True)
    masked = jnp.where(pi - thr + 1e-15 > 0.0, pi, 0.0)
    col = colt_ref[...]
    rank = jnp.zeros((DEG, blk), jnp.int32)
    for bb in range(DEG):
        rank += (col[bb:bb + 1, :] < col).astype(jnp.int32)
    rows_iota = lax.broadcasted_iota(jnp.int32, (DEG, blk), 0)
    out = jnp.zeros((DEG, blk), jnp.float32)
    for jj in range(DEG):
        out += jnp.where(rank[jj:jj + 1, :] == rows_iota,
                         masked[jj:jj + 1, :], 0.0)
    out_ref[...] = out


def _topk_mask(zt, colt, ssq):
    blk = 1024
    return pl.pallas_call(
        _topk_body,
        grid=(NP // blk,),
        in_specs=[
            pl.BlockSpec((DEG, blk), lambda i: (0, i)),
            pl.BlockSpec((DEG, blk), lambda i: (0, i)),
            pl.BlockSpec((1, 1), lambda i: (0, 0)),
        ],
        out_specs=pl.BlockSpec((DEG, blk), lambda i: (0, i)),
        out_shape=jax.ShapeDtypeStruct((DEG, NP), jnp.float32),
    )(zt, colt, ssq)


def kernel(features, indices, W1, b1, W2, b2):
    col = indices[1]
    wcat = jnp.concatenate([W1[:, :D].T, W1[:, D:].T], axis=1)
    b1r = b1.reshape(1, H)
    w2r = W2.reshape(1, H)
    b2r = b2.reshape(1, 1)
    feat_p = jnp.zeros((NP, D), jnp.float32).at[:N].set(features)
    colt = (jnp.zeros((NP, DEG), jnp.int32)
            .at[:N].set(col.reshape(N, DEG)).T)

    a_nodes, b_nodes = _node_mlp(feat_p, wcat, b1r)
    bgt = _sc_gather(b_nodes, colt)
    zt, ssq = _edge_scores(bgt, a_nodes, w2r, b2r)
    out_t = _topk_mask(zt, colt, ssq)
    return out_t[:, :N].T.reshape(E)

# --- scband reference (transcript-rebuilt; emitter-appended) ---
"""Pipeline reference for scband-sp-learner-18837726560673 (READ-ONLY COPY).

The authoritative reference and input builder live on the scoring server;
editing this copy changes nothing except your own understanding.
"""

import jax, jax.numpy as jnp
import numpy as np

N_NODES = 10000
DEG = 32
D_FEAT = 128
IN_DIM = 2 * D_FEAT
HIDDEN = 64
K_FRAC = 0.5


def setup_inputs(seed: int = 0) -> dict:
    key = jax.random.key(seed)
    k1, k2, k3 = jax.random.split(key, 3)
    features = jax.random.normal(k1, (N_NODES, D_FEAT), dtype=jnp.float32)
    # Structured edge list: every node has exactly DEG out-edges, (row, col)
    # pairs are unique so torch's sparse coalesce() is a pure lexicographic
    # reordering (no duplicate summation).
    row = jnp.repeat(jnp.arange(N_NODES, dtype=jnp.int32), DEG)
    j = jnp.tile(jnp.arange(DEG, dtype=jnp.int32), N_NODES)
    col = (row * 7 + j * 313) % N_NODES
    indices = jnp.stack([row, col], axis=0)
    # Xavier-uniform initialized MLP params: Linear(256->64), Linear(64->1)
    limit1 = float(np.sqrt(6.0 / (IN_DIM + HIDDEN)))
    W1 = jax.random.uniform(k2, (HIDDEN, IN_DIM), minval=-limit1, maxval=limit1, dtype=jnp.float32)
    b1 = jnp.zeros((HIDDEN,), dtype=jnp.float32)
    limit2 = float(np.sqrt(6.0 / (HIDDEN + 1)))
    W2 = jax.random.uniform(k3, (1, HIDDEN), minval=-limit2, maxval=limit2, dtype=jnp.float32)
    b2 = jnp.zeros((1,), dtype=jnp.float32)
    return {"features": features, "indices": indices, "W1": W1, "b1": b1, "W2": W2, "b2": b2}


def _binary_step(x):
    return (x > 0.0).astype(jnp.float32)


def reference(features, indices, W1, b1, W2, b2):
    row = indices[0]
    col = indices[1]
    E = row.shape[0]
    # gather endpoint features and run the 2-layer MLP edge scorer
    f1 = jnp.take(features, row, axis=0)
    f2 = jnp.take(features, col, axis=0)
    temp = jnp.concatenate([f1, f2], axis=-1)
    h = jax.nn.relu(temp @ W1.T + b1)
    z = (h @ W2.T + b2).reshape(-1)
    # F.normalize(z, dim=0)
    z = z / jnp.maximum(jnp.linalg.norm(z), 1e-12)
    # torch.sparse.softmax(dim=1): softmax over entries sharing a source row
    row_max = jax.ops.segment_max(z, row, num_segments=N_NODES)
    ex = jnp.exp(z - row_max[row])
    denom = jax.ops.segment_sum(ex, row, num_segments=N_NODES)
    pi = ex / denom[row]
    # coalesce(): lexicographic (row, col) ordering; pairs unique by construction
    order = jnp.lexsort((col, row))
    sparse_row = row[order]
    sparse_values = pi[order]
    # unique(return_counts): every node appears, counts per node
    counts = jnp.bincount(sparse_row, length=N_NODES)
    k_edges = jnp.round(counts.astype(jnp.float32) * K_FRAC).astype(jnp.int32)
    k_edges = jnp.maximum(k_edges, 1)
    # global descending value sort, then stable re-sort by row id
    val_sort_idx = jnp.argsort(-sparse_values)
    sparse_values_d = sparse_values[val_sort_idx]
    sparse_idx0 = sparse_row[val_sort_idx]
    idx_sort_idx = jnp.argsort(sparse_idx0)  # stable ascending
    scores_sorted = sparse_values_d[idx_sort_idx]
    edge_start = jnp.concatenate([jnp.zeros((1,), counts.dtype), jnp.cumsum(counts[:-1])])
    edge_end = jnp.abs(edge_start + k_edges - 1).astype(jnp.int32)
    thre = scores_sorted[edge_end]
    thre_aug = jnp.repeat(thre, counts, total_repeat_length=E)
    mask = _binary_step(scores_sorted - thre_aug + 1e-15)
    masked = mask * scores_sorted
    idx_resort = jnp.argsort(idx_sort_idx)
    val_resort = jnp.argsort(val_sort_idx)
    masked = masked[idx_resort]
    masked = masked[val_resort]
    return masked

if __name__ == "__main__":
    import jax
    _d = setup_inputs()
    print(jax.jit(kernel)(*tuple(_d.values())))

</pallas_src>

<mosaic_0001>
#map = affine_map<(d0, d1) -> (0, 0)>
#map1 = affine_map<(d0, d1) -> (0, 0, 0)>
module attributes {stable_mosaic.version = 14 : i64} {
  func.func @_sc_gather_body(%arg0: i32, %arg1: i32, %arg2: memref<10240x128xf32, #tpu.memory_space<hbm>>, %arg3: memref<32x10240xi32, #tpu.memory_space<hbm>>, %arg4: memref<32x10240x128xf32, #tpu.memory_space<hbm>>, %arg5: memref<10240xi32, #tpu.memory_space<vmem>>, %arg6: memref<128x128xf32, #tpu.memory_space<vmem>>, %arg7: memref<128x128xf32, #tpu.memory_space<vmem>>, %arg8: memref<128x128xf32, #tpu.memory_space<vmem>>, %arg9: memref<128x128xf32, #tpu.memory_space<vmem>>, %arg10: memref<!tpu.dma_semaphore, #tpu.memory_space<semaphore_mem>>, %arg11: memref<!tpu.dma_semaphore, #tpu.memory_space<semaphore_mem>>, %arg12: memref<!tpu.dma_semaphore, #tpu.memory_space<semaphore_mem>>, %arg13: memref<!tpu.dma_semaphore, #tpu.memory_space<semaphore_mem>>) attributes {dimension_semantics = [#tpu.dimension_semantics<core_parallel>, #tpu.dimension_semantics<subcore_parallel>], iteration_bounds = array<i64: 2, 16>, scalar_prefetch = 0 : i64, scratch_operands = 9 : i64, tpu.core_type = #tpu.core_type<sc_vector_subcore>, window_params = [{transform_indices = #map}, {transform_indices = #map}, {transform_indices = #map1}]} {
    %mul3A = arith.constant 2 : i32
    %mul3A_0 = arith.muli %arg1, %mul3A : i32
    %add3A = arith.addi %mul3A_0, %arg0 : i32
    "tpu.region"() ({
      %run_scoped3A = tpu.sem_alloc : memref<!tpu.dma_semaphore, #tpu.memory_space<semaphore_mem>>
      %dma_start3A_25 = arith.constant 0 : i32
      %dma_start3A_26 = tpu.memref_slice %arg3[%add3A, %dma_start3A_25] : memref<32x10240xi32, #tpu.memory_space<hbm>> -> memref<1x10240xi32, #tpu.memory_space<hbm>>
      %dma_start3A_27 = tpu.memref_squeeze %dma_start3A_26 : memref<1x10240xi32, #tpu.memory_space<hbm>> -> memref<10240xi32, #tpu.memory_space<hbm>>
      %dma_start3A_28 = arith.constant 0 : i32
      %dma_start3A_29 = tpu.memref_slice %arg3[%add3A, %dma_start3A_28] : memref<32x10240xi32, #tpu.memory_space<hbm>> -> memref<1x10240xi32, #tpu.memory_space<hbm>>
      %dma_start3A_30 = tpu.memref_squeeze %dma_start3A_29 : memref<1x10240xi32, #tpu.memory_space<hbm>> -> memref<10240xi32, #tpu.memory_space<hbm>>
      tpu.enqueue_dma source(%dma_start3A_30 : memref<10240xi32, #tpu.memory_space<hbm>>) target(%arg5 : memref<10240xi32, #tpu.memory_space<vmem>>) target_semaphore(%run_scoped3A : memref<!tpu.dma_semaphore, #tpu.memory_space<semaphore_mem>>)
      %dma_wait3A = arith.constant 0 : i32
      %dma_wait3A_31 = tpu.memref_slice %arg3[%add3A, %dma_wait3A] : memref<32x10240xi32, #tpu.memory_space<hbm>> -> memref<1x10240xi32, #tpu.memory_space<hbm>>
      %dma_wait3A_32 = tpu.memref_squeeze %dma_wait3A_31 : memref<1x10240xi32, #tpu.memory_space<hbm>> -> memref<10240xi32, #tpu.memory_space<hbm>>
      %dma_wait3A_33 = arith.constant 0 : i32
      %dma_wait3A_34 = tpu.memref_slice %arg3[%add3A, %dma_wait3A_33] : memref<32x10240xi32, #tpu.memory_space<hbm>> -> memref<1x10240xi32, #tpu.memory_space<hbm>>
      %dma_wait3A_35 = tpu.memref_squeeze %dma_wait3A_34 : memref<1x10240xi32, #tpu.memory_space<hbm>> -> memref<10240xi32, #tpu.memory_space<hbm>>
      tpu.wait_dma2 semaphore(%run_scoped3A : memref<!tpu.dma_semaphore, #tpu.memory_space<semaphore_mem>>) src(%dma_wait3A_35 : memref<10240xi32, #tpu.memory_space<hbm>>) dst(%arg5 : memref<10240xi32, #tpu.memory_space<vmem>>)
      tpu.yield
    }) : () -> ()
    %dma_start3A = arith.constant 0 : i32
    %dma_start3A_1 = tpu.memref_slice %arg5[%dma_start3A] : memref<10240xi32, #tpu.memory_space<vmem>> -> memref<128xi32, #tpu.memory_space<vmem>>
    %dma_start3A_2 = arith.constant 0 : i32
    %dma_start3A_3 = arith.constant 0 : i32
    %dma_start3A_4 = tpu.memref_slice %arg2[%dma_start3A_2, %dma_start3A_3] : memref<10240x128xf32, #tpu.memory_space<hbm>> -> memref<10240x128xf32, #tpu.memory_space<hbm>>
    tpu.enqueue_indirect_dma source(%dma_start3A_4 : memref<10240x128xf32, #tpu.memory_space<hbm>>) target(%arg6 : memref<128x128xf32, #tpu.memory_space<vmem>>) offsets(%dma_start3A_1 : memref<128xi32, #tpu.memory_space<vmem>>) semaphore(%arg10 : memref<!tpu.dma_semaphore, #tpu.memory_space<semaphore_mem>>)
    %dma_start3A_5 = arith.constant 128 : i32
    %dma_start3A_6 = tpu.memref_slice %arg5[%dma_start3A_5] : memref<10240xi32, #tpu.memory_space<vmem>> -> memref<128xi32, #tpu.memory_space<vmem>>
    %dma_start3A_7 = arith.constant 0 : i32
    %dma_start3A_8 = arith.constant 0 : i32
    %dma_start3A_9 = tpu.memref_slice %arg2[%dma_start3A_7, %dma_start3A_8] : memref<10240x128xf32, #tpu.memory_space<hbm>> -> memref<10240x128xf32, #tpu.memory_space<hbm>>
    tpu.enqueue_indirect_dma source(%dma_start3A_9 : memref<10240x128xf32, #tpu.memory_space<hbm>>) target(%arg7 : memref<128x128xf32, #tpu.memory_space<vmem>>) offsets(%dma_start3A_6 : memref<128xi32, #tpu.memory_space<vmem>>) semaphore(%arg11 : memref<!tpu.dma_semaphore, #tpu.memory_space<semaphore_mem>>)
    %dma_start3A_10 = arith.constant 256 : i32
    %dma_start3A_11 = tpu.memref_slice %arg5[%dma_start3A_10] : memref<10240xi32, #tpu.memory_space<vmem>> -> memref<128xi32, #tpu.memory_space<vmem>>
    %dma_start3A_12 = arith.constant 0 : i32
    %dma_start3A_13 = arith.constant 0 : i32
    %dma_start3A_14 = tpu.memref_slice %arg2[%dma_start3A_12, %dma_start3A_13] : memref<10240x128xf32, #tpu.memory_space<hbm>> -> memref<10240x128xf32, #tpu.memory_space<hbm>>
    tpu.enqueue_indirect_dma source(%dma_start3A_14 : memref<10240x128xf32, #tpu.memory_space<hbm>>) target(%arg8 : memref<128x128xf32, #tpu.memory_space<vmem>>) offsets(%dma_start3A_11 : memref<128xi32, #tpu.memory_space<vmem>>) semaphore(%arg12 : memref<!tpu.dma_semaphore, #tpu.memory_space<semaphore_mem>>)
    %dma_start3A_15 = arith.constant 384 : i32
    %dma_start3A_16 = tpu.memref_slice %arg5[%dma_start3A_15] : memref<10240xi32, #tpu.memory_space<vmem>> -> memref<128xi32, #tpu.memory_space<vmem>>
    %dma_start3A_17 = arith.constant 0 : i32
    %dma_start3A_18 = arith.constant 0 : i32
    %dma_start3A_19 = tpu.memref_slice %arg2[%dma_start3A_17, %dma_start3A_18] : memref<10240x128xf32, #tpu.memory_space<hbm>> -> memref<10240x128xf32, #tpu.memory_space<hbm>>
    tpu.enqueue_indirect_dma source(%dma_start3A_19 : memref<10240x128xf32, #tpu.memory_space<hbm>>) target(%arg9 : memref<128x128xf32, #tpu.memory_space<vmem>>) offsets(%dma_start3A_16 : memref<128xi32, #tpu.memory_space<vmem>>) semaphore(%arg13 : memref<!tpu.dma_semaphore, #tpu.memory_space<semaphore_mem>>)
    %scan3A = arith.constant 0 : i32
    %scan3A_20 = arith.constant 0 : i32
    %scan3A_21 = arith.constant 20 : i32
    %scan3A_22 = arith.addi %scan3A_20, %scan3A_21 : i32
    %scan3A_23 = arith.constant 1 : i32
    scf.for %scan3A_25 = %scan3A_20 to %scan3A_22 step %scan3A_23  : i32 {
      %mul3A_26 = arith.constant 4 : i32
      %mul3A_27 = arith.muli %mul3A_26, %scan3A_25 : i32
      %add3A_28 = arith.constant 0 : i32
      %add3A_29 = arith.addi %mul3A_27, %add3A_28 : i32
      %mul3A_30 = arith.constant 128 : i32
      %mul3A_31 = arith.muli %add3A_29, %mul3A_30 : i32
      %dma_wait3A = tpu.memref_slice %arg5[%mul3A_31] : memref<10240xi32, #tpu.memory_space<vmem>> -> memref<128xi32, #tpu.memory_space<vmem>>
      %dma_wait3A_32 = arith.constant 0 : i32
      %dma_wait3A_33 = arith.constant 0 : i32
      %dma_wait3A_34 = tpu.memref_slice %arg2[%dma_wait3A_32, %dma_wait3A_33] : memref<10240x128xf32, #tpu.memory_space<hbm>> -> memref<10240x128xf32, #tpu.memory_space<hbm>>
      tpu.wait_indirect_dma semaphore(%arg10 : memref<!tpu.dma_semaphore, #tpu.memory_space<semaphore_mem>>) src(%dma_wait3A_34 : memref<10240x128xf32, #tpu.memory_space<hbm>>) dst(%arg6 : memref<128x128xf32, #tpu.memory_space<vmem>>)
      %mul3A_35 = arith.constant 128 : i32
      %mul3A_36 = arith.muli %add3A_29, %mul3A_35 : i32
      "tpu.region"() ({
        %run_scoped3A = tpu.sem_alloc : memref<!tpu.dma_semaphore, #tpu.memory_space<semaphore_mem>>
        %dma_start3A_92 = arith.constant 0 : i32
        %dma_start3A_93 = tpu.memref_slice %arg4[%add3A, %mul3A_36, %dma_start3A_92] : memref<32x10240x128xf32, #tpu.memory_space<hbm>> -> memref<1x128x128xf32, #tpu.memory_space<hbm>>
        %dma_start3A_94 = tpu.memref_squeeze %dma_start3A_93 : memref<1x128x128xf32, #tpu.memory_space<hbm>> -> memref<128x128xf32, #tpu.memory_space<hbm>>
        %dma_start3A_95 = arith.constant 0 : i32
        %dma_start3A_96 = tpu.memref_slice %arg4[%add3A, %mul3A_36, %dma_start3A_95] : memref<32x10240x128xf32, #tpu.memory_space<hbm>> -> memref<1x128x128xf32, #tpu.memory_space<hbm>>
        %dma_start3A_97 = tpu.memref_squeeze %dma_start3A_96 : memref<1x128x128xf32, #tpu.memory_space<hbm>> -> memref<128x128xf32, #tpu.memory_space<hbm>>
        tpu.enqueue_dma source(%arg6 : memref<128x128xf32, #tpu.memory_space<vmem>>) target(%dma_start3A_97 : memref<128x128xf32, #tpu.memory_space<hbm>>) target_semaphore(%run_scoped3A : memref<!tpu.dma_semaphore, #tpu.memory_space<semaphore_mem>>)
        %dma_wait3A_98 = arith.constant 0 : i32
        %dma_wait3A_99 = tpu.memref_slice %arg4[%add3A, %mul3A_36, %dma_wait3A_98] : memref<32x10240x128xf32, #tpu.memory_space<hbm>> -> memref<1x128x128xf32, #tpu.memory_space<hbm>>
        %dma_wait3A_100 = tpu.memref_squeeze %dma_wait3A_99 : memref<1x128x128xf32, #tpu.memory_space<hbm>> -> memref<128x128xf32, #tpu.memory_space<hbm>>
        %dma_wait3A_101 = arith.constant 0 : i32
        %dma_wait3A_102 = tpu.memref_slice %arg4[%add3A, %mul3A_36, %dma_wait3A_101] : memref<32x10240x128xf32, #tpu.memory_space<hbm>> -> memref<1x128x128xf32, #tpu.memory_space<hbm>>
        %dma_wait3A_103 = tpu.memref_squeeze %dma_wait3A_102 : memref<1x128x128xf32, #tpu.memory_space<hbm>> -> memref<128x128xf32, #tpu.memory_space<hbm>>
        tpu.wait_dma2 semaphore(%run_scoped3A : memref<!tpu.dma_semaphore, #tpu.memory_space<semaphore_mem>>) src(%arg6 : memref<128x128xf32, #tpu.memory_space<vmem>>) dst(%dma_wait3A_103 : memref<128x128xf32, #tpu.memory_space<hbm>>)
        tpu.yield
      }) : () -> ()
      %add3A_37 = arith.constant 4 : i32
      %add3A_38 = arith.addi %add3A_29, %add3A_37 : i32
      %lt3A = arith.constant 80 : i32
      %lt3A_39 = arith.cmpi slt, %add3A_38, %lt3A : i32
      %convert_element_type3A = arith.extui %lt3A_39 : i1 to i32
      %cond3A = arith.constant 0 : i32
      %cond3A_40 = arith.cmpi ne, %convert_element_type3A, %cond3A : i32
      scf.if %cond3A_40 {
        %add3A_92 = arith.constant 4 : i32
        %add3A_93 = arith.addi %add3A_29, %add3A_92 : i32
        %mul3A_94 = arith.constant 128 : i32
        %mul3A_95 = arith.muli %add3A_93, %mul3A_94 : i32
        %dma_start3A_96 = tpu.memref_slice %arg5[%mul3A_95] : memref<10240xi32, #tpu.memory_space<vmem>> -> memref<128xi32, #tpu.memory_space<vmem>>
        %dma_start3A_97 = arith.constant 0 : i32
        %dma_start3A_98 = arith.constant 0 : i32
        %dma_start3A_99 = tpu.memref_slice %arg2[%dma_start3A_97, %dma_start3A_98] : memref<10240x128xf32, #tpu.memory_space<hbm>> -> memref<10240x128xf32, #tpu.memory_space<hbm>>
        tpu.enqueue_indirect_dma source(%dma_start3A_99 : memref<10240x128xf32, #tpu.memory_space<hbm>>) target(%arg6 : memref<128x128xf32, #tpu.memory_space<vmem>>) offsets(%dma_start3A_96 : memref<128xi32, #tpu.memory_space<vmem>>) semaphore(%arg10 : memref<!tpu.dma_semaphore, #tpu.memory_space<semaphore_mem>>)
      } else {
      }
      %add3A_41 = arith.constant 1 : i32
      %add3A_42 = arith.addi %mul3A_27, %add3A_41 : i32
      %mul3A_43 = arith.constant 128 : i32
      %mul3A_44 = arith.muli %add3A_42, %mul3A_43 : i32
      %dma_wait3A_45 = tpu.memref_slice %arg5[%mul3A_44] : memref<10240xi32, #tpu.memory_space<vmem>> -> memref<128xi32, #tpu.memory_space<vmem>>
      %dma_wait3A_46 = arith.constant 0 : i32
      %dma_wait3A_47 = arith.constant 0 : i32
      %dma_wait3A_48 = tpu.memref_slice %arg2[%dma_wait3A_46, %dma_wait3A_47] : memref<10240x128xf32, #tpu.memory_space<hbm>> -> memref<10240x128xf32, #tpu.memory_space<hbm>>
      tpu.wait_indirect_dma semaphore(%arg11 : memref<!tpu.dma_semaphore, #tpu.memory_space<semaphore_mem>>) src(%dma_wait3A_48 : memref<10240x128xf32, #tpu.memory_space<hbm>>) dst(%arg7 : memref<128x128xf32, #tpu.memory_space<vmem>>)
      %mul3A_49 = arith.constant 128 : i32
      %mul3A_50 = arith.muli %add3A_42, %mul3A_49 : i32
      "tpu.region"() ({
        %run_scoped3A = tpu.sem_alloc : memref<!tpu.dma_semaphore, #tpu.memory_space<semaphore_mem>>
        %dma_start3A_92 = arith.constant 0 : i32
        %dma_start3A_93 = tpu.memref_slice %arg4[%add3A, %mul3A_50, %dma_start3A_92] : memref<32x10240x128xf32, #tpu.memory_space<hbm>> -> memref<1x128x128xf32, #tpu.memory_space<hbm>>
        %dma_start3A_94 = tpu.memref_squeeze %dma_start3A_93 : memref<1x128x128xf32, #tpu.memory_space<hbm>> -> memref<128x128xf32, #tpu.memory_space<hbm>>
        %dma_start3A_95 = arith.constant 0 : i32
        %dma_start3A_96 = tpu.memref_slice %arg4[%add3A, %mul3A_50, %dma_start3A_95] : memref<32x10240x128xf32, #tpu.memory_space<hbm>> -> memref<1x128x128xf32, #tpu.memory_space<hbm>>
        %dma_start3A_97 = tpu.memref_squeeze %dma_start3A_96 : memref<1x128x128xf32, #tpu.memory_space<hbm>> -> memref<128x128xf32, #tpu.memory_space<hbm>>
        tpu.enqueue_dma source(%arg7 : memref<128x128xf32, #tpu.memory_space<vmem>>) target(%dma_start3A_97 : memref<128x128xf32, #tpu.memory_space<hbm>>) target_semaphore(%run_scoped3A : memref<!tpu.dma_semaphore, #tpu.memory_space<semaphore_mem>>)
        %dma_wait3A_98 = arith.constant 0 : i32
        %dma_wait3A_99 = tpu.memref_slice %arg4[%add3A, %mul3A_50, %dma_wait3A_98] : memref<32x10240x128xf32, #tpu.memory_space<hbm>> -> memref<1x128x128xf32, #tpu.memory_space<hbm>>
        %dma_wait3A_100 = tpu.memref_squeeze %dma_wait3A_99 : memref<1x128x128xf32, #tpu.memory_space<hbm>> -> memref<128x128xf32, #tpu.memory_space<hbm>>
        %dma_wait3A_101 = arith.constant 0 : i32
        %dma_wait3A_102 = tpu.memref_slice %arg4[%add3A, %mul3A_50, %dma_wait3A_101] : memref<32x10240x128xf32, #tpu.memory_space<hbm>> -> memref<1x128x128xf32, #tpu.memory_space<hbm>>
        %dma_wait3A_103 = tpu.memref_squeeze %dma_wait3A_102 : memref<1x128x128xf32, #tpu.memory_space<hbm>> -> memref<128x128xf32, #tpu.memory_space<hbm>>
        tpu.wait_dma2 semaphore(%run_scoped3A : memref<!tpu.dma_semaphore, #tpu.memory_space<semaphore_mem>>) src(%arg7 : memref<128x128xf32, #tpu.memory_space<vmem>>) dst(%dma_wait3A_103 : memref<128x128xf32, #tpu.memory_space<hbm>>)
        tpu.yield
      }) : () -> ()
      %add3A_51 = arith.constant 4 : i32
      %add3A_52 = arith.addi %add3A_42, %add3A_51 : i32
      %lt3A_53 = arith.constant 80 : i32
      %lt3A_54 = arith.cmpi slt, %add3A_52, %lt3A_53 : i32
      %convert_element_type3A_55 = arith.extui %lt3A_54 : i1 to i32
      %cond3A_56 = arith.constant 0 : i32
      %cond3A_57 = arith.cmpi ne, %convert_element_type3A_55, %cond3A_56 : i32
      scf.if %cond3A_57 {
        %add3A_92 = arith.constant 4 : i32
        %add3A_93 = arith.addi %add3A_42, %add3A_92 : i32
        %mul3A_94 = arith.constant 128 : i32
        %mul3A_95 = arith.muli %add3A_93, %mul3A_94 : i32
        %dma_start3A_96 = tpu.memref_slice %arg5[%mul3A_95] : memref<10240xi32, #tpu.memory_space<vmem>> -> memref<128xi32, #tpu.memory_space<vmem>>
        %dma_start3A_97 = arith.constant 0 : i32
        %dma_start3A_98 = arith.constant 0 : i32
        %dma_start3A_99 = tpu.memref_slice %arg2[%dma_start3A_97, %dma_start3A_98] : memref<10240x128xf32, #tpu.memory_space<hbm>> -> memref<10240x128xf32, #tpu.memory_space<hbm>>
        tpu.enqueue_indirect_dma source(%dma_start3A_99 : memref<10240x128xf32, #tpu.memory_space<hbm>>) target(%arg7 : memref<128x128xf32, #tpu.memory_space<vmem>>) offsets(%dma_start3A_96 : memref<128xi32, #tpu.memory_space<vmem>>) semaphore(%arg11 : memref<!tpu.dma_semaphore, #tpu.memory_space<semaphore_mem>>)
      } else {
      }
      %add3A_58 = arith.constant 2 : i32
      %add3A_59 = arith.addi %mul3A_27, %add3A_58 : i32
      %mul3A_60 = arith.constant 128 : i32
      %mul3A_61 = arith.muli %add3A_59, %mul3A_60 : i32
      %dma_wait3A_62 = tpu.memref_slice %arg5[%mul3A_61] : memref<10240xi32, #tpu.memory_space<vmem>> -> memref<128xi32, #tpu.memory_space<vmem>>
      %dma_wait3A_63 = arith.constant 0 : i32
      %dma_wait3A_64 = arith.constant 0 : i32
      %dma_wait3A_65 = tpu.memref_slice %arg2[%dma_wait3A_63, %dma_wait3A_64] : memref<10240x128xf32, #tpu.memory_space<hbm>> -> memref<10240x128xf32, #tpu.memory_space<hbm>>
      tpu.wait_indirect_dma semaphore(%arg12 : memref<!tpu.dma_semaphore, #tpu.memory_space<semaphore_mem>>) src(%dma_wait3A_65 : memref<10240x128xf32, #tpu.memory_space<hbm>>) dst(%arg8 : memref<128x128xf32, #tpu.memory_space<vmem>>)
      %mul3A_66 = arith.constant 128 : i32
      %mul3A_67 = arith.muli %add3A_59, %mul3A_66 : i32
      "tpu.region"() ({
        %run_scoped3A = tpu.sem_alloc : memref<!tpu.dma_semaphore, #tpu.memory_space<semaphore_mem>>
        %dma_start3A_92 = arith.constant 0 : i32
        %dma_start3A_93 = tpu.memref_slice %arg4[%add3A, %mul3A_67, %dma_start3A_92] : memref<32x10240x128xf32, #tpu.memory_space<hbm>> -> memref<1x128x128xf32, #tpu.memory_space<hbm>>
        %dma_start3A_94 = tpu.memref_squeeze %dma_start3A_93 : memref<1x128x128xf32, #tpu.memory_space<hbm>> -> memref<128x128xf32, #tpu.memory_space<hbm>>
        %dma_start3A_95 = arith.constant 0 : i32
        %dma_start3A_96 = tpu.memref_slice %arg4[%add3A, %mul3A_67, %dma_start3A_95] : memref<32x10240x128xf32, #tpu.memory_space<hbm>> -> memref<1x128x128xf32, #tpu.memory_space<hbm>>
        %dma_start3A_97 = tpu.memref_squeeze %dma_start3A_96 : memref<1x128x128xf32, #tpu.memory_space<hbm>> -> memref<128x128xf32, #tpu.memory_space<hbm>>
        tpu.enqueue_dma source(%arg8 : memref<128x128xf32, #tpu.memory_space<vmem>>) target(%dma_start3A_97 : memref<128x128xf32, #tpu.memory_space<hbm>>) target_semaphore(%run_scoped3A : memref<!tpu.dma_semaphore, #tpu.memory_space<semaphore_mem>>)
        %dma_wait3A_98 = arith.constant 0 : i32
        %dma_wait3A_99 = tpu.memref_slice %arg4[%add3A, %mul3A_67, %dma_wait3A_98] : memref<32x10240x128xf32, #tpu.memory_space<hbm>> -> memref<1x128x128xf32, #tpu.memory_space<hbm>>
        %dma_wait3A_100 = tpu.memref_squeeze %dma_wait3A_99 : memref<1x128x128xf32, #tpu.memory_space<hbm>> -> memref<128x128xf32, #tpu.memory_space<hbm>>
        %dma_wait3A_101 = arith.constant 0 : i32
        %dma_wait3A_102 = tpu.memref_slice %arg4[%add3A, %mul3A_67, %dma_wait3A_101] : memref<32x10240x128xf32, #tpu.memory_space<hbm>> -> memref<1x128x128xf32, #tpu.memory_space<hbm>>
        %dma_wait3A_103 = tpu.memref_squeeze %dma_wait3A_102 : memref<1x128x128xf32, #tpu.memory_space<hbm>> -> memref<128x128xf32, #tpu.memory_space<hbm>>
        tpu.wait_dma2 semaphore(%run_scoped3A : memref<!tpu.dma_semaphore, #tpu.memory_space<semaphore_mem>>) src(%arg8 : memref<128x128xf32, #tpu.memory_space<vmem>>) dst(%dma_wait3A_103 : memref<128x128xf32, #tpu.memory_space<hbm>>)
        tpu.yield
      }) : () -> ()
      %add3A_68 = arith.constant 4 : i32
      %add3A_69 = arith.addi %add3A_59, %add3A_68 : i32
      %lt3A_70 = arith.constant 80 : i32
      %lt3A_71 = arith.cmpi slt, %add3A_69, %lt3A_70 : i32
      %convert_element_type3A_72 = arith.extui %lt3A_71 : i1 to i32
      %cond3A_73 = arith.constant 0 : i32
      %cond3A_74 = arith.cmpi ne, %convert_element_type3A_72, %cond3A_73 : i32
      scf.if %cond3A_74 {
        %add3A_92 = arith.constant 4 : i32
        %add3A_93 = arith.addi %add3A_59, %add3A_92 : i32
        %mul3A_94 = arith.constant 128 : i32
        %mul3A_95 = arith.muli %add3A_93, %mul3A_94 : i32
        %dma_start3A_96 = tpu.memref_slice %arg5[%mul3A_95] : memref<10240xi32, #tpu.memory_space<vmem>> -> memref<128xi32, #tpu.memory_space<vmem>>
        %dma_start3A_97 = arith.constant 0 : i32
        %dma_start3A_98 = arith.constant 0 : i32
        %dma_start3A_99 = tpu.memref_slice %arg2[%dma_start3A_97, %dma_start3A_98] : memref<10240x128xf32, #tpu.memory_space<hbm>> -> memref<10240x128xf32, #tpu.memory_space<hbm>>
        tpu.enqueue_indirect_dma source(%dma_start3A_99 : memref<10240x128xf32, #tpu.memory_space<hbm>>) target(%arg8 : memref<128x128xf32, #tpu.memory_space<vmem>>) offsets(%dma_start3A_96 : memref<128xi32, #tpu.memory_space<vmem>>) semaphore(%arg12 : memref<!tpu.dma_semaphore, #tpu.memory_space<semaphore_mem>>)
      } else {
      }
      %add3A_75 = arith.constant 3 : i32
      %add3A_76 = arith.addi %mul3A_27, %add3A_75 : i32
      %mul3A_77 = arith.constant 128 : i32
      %mul3A_78 = arith.muli %add3A_76, %mul3A_77 : i32
      %dma_wait3A_79 = tpu.memref_slice %arg5[%mul3A_78] : memref<10240xi32, #tpu.memory_space<vmem>> -> memref<128xi32, #tpu.memory_space<vmem>>
      %dma_wait3A_80 = arith.constant 0 : i32
      %dma_wait3A_81 = arith.constant 0 : i32
      %dma_wait3A_82 = tpu.memref_slice %arg2[%dma_wait3A_80, %dma_wait3A_81] : memref<10240x128xf32, #tpu.memory_space<hbm>> -> memref<10240x128xf32, #tpu.memory_space<hbm>>
      tpu.wait_indirect_dma semaphore(%arg13 : memref<!tpu.dma_semaphore, #tpu.memory_space<semaphore_mem>>) src(%dma_wait3A_82 : memref<10240x128xf32, #tpu.memory_space<hbm>>) dst(%arg9 : memref<128x128xf32, #tpu.memory_space<vmem>>)
      %mul3A_83 = arith.constant 128 : i32
      %mul3A_84 = arith.muli %add3A_76, %mul3A_83 : i32
      "tpu.region"() ({
        %run_scoped3A = tpu.sem_alloc : memref<!tpu.dma_semaphore, #tpu.memory_space<semaphore_mem>>
        %dma_start3A_92 = arith.constant 0 : i32
        %dma_start3A_93 = tpu.memref_slice %arg4[%add3A, %mul3A_84, %dma_start3A_92] : memref<32x10240x128xf32, #tpu.memory_space<hbm>> -> memref<1x128x128xf32, #tpu.memory_space<hbm>>
        %dma_start3A_94 = tpu.memref_squeeze %dma_start3A_93 : memref<1x128x128xf32, #tpu.memory_space<hbm>> -> memref<128x128xf32, #tpu.memory_space<hbm>>
        %dma_start3A_95 = arith.constant 0 : i32
        %dma_start3A_96 = tpu.memref_slice %arg4[%add3A, %mul3A_84, %dma_start3A_95] : memref<32x10240x128xf32, #tpu.memory_space<hbm>> -> memref<1x128x128xf32, #tpu.memory_space<hbm>>
        %dma_start3A_97 = tpu.memref_squeeze %dma_start3A_96 : memref<1x128x128xf32, #tpu.memory_space<hbm>> -> memref<128x128xf32, #tpu.memory_space<hbm>>
        tpu.enqueue_dma source(%arg9 : memref<128x128xf32, #tpu.memory_space<vmem>>) target(%dma_start3A_97 : memref<128x128xf32, #tpu.memory_space<hbm>>) target_semaphore(%run_scoped3A : memref<!tpu.dma_semaphore, #tpu.memory_space<semaphore_mem>>)
        %dma_wait3A_98 = arith.constant 0 : i32
        %dma_wait3A_99 = tpu.memref_slice %arg4[%add3A, %mul3A_84, %dma_wait3A_98] : memref<32x10240x128xf32, #tpu.memory_space<hbm>> -> memref<1x128x128xf32, #tpu.memory_space<hbm>>
        %dma_wait3A_100 = tpu.memref_squeeze %dma_wait3A_99 : memref<1x128x128xf32, #tpu.memory_space<hbm>> -> memref<128x128xf32, #tpu.memory_space<hbm>>
        %dma_wait3A_101 = arith.constant 0 : i32
        %dma_wait3A_102 = tpu.memref_slice %arg4[%add3A, %mul3A_84, %dma_wait3A_101] : memref<32x10240x128xf32, #tpu.memory_space<hbm>> -> memref<1x128x128xf32, #tpu.memory_space<hbm>>
        %dma_wait3A_103 = tpu.memref_squeeze %dma_wait3A_102 : memref<1x128x128xf32, #tpu.memory_space<hbm>> -> memref<128x128xf32, #tpu.memory_space<hbm>>
        tpu.wait_dma2 semaphore(%run_scoped3A : memref<!tpu.dma_semaphore, #tpu.memory_space<semaphore_mem>>) src(%arg9 : memref<128x128xf32, #tpu.memory_space<vmem>>) dst(%dma_wait3A_103 : memref<128x128xf32, #tpu.memory_space<hbm>>)
        tpu.yield
      }) : () -> ()
      %add3A_85 = arith.constant 4 : i32
      %add3A_86 = arith.addi %add3A_76, %add3A_85 : i32
      %lt3A_87 = arith.constant 80 : i32
      %lt3A_88 = arith.cmpi slt, %add3A_86, %lt3A_87 : i32
      %convert_element_type3A_89 = arith.extui %lt3A_88 : i1 to i32
      %cond3A_90 = arith.constant 0 : i32
      %cond3A_91 = arith.cmpi ne, %convert_element_type3A_89, %cond3A_90 : i32
      scf.if %cond3A_91 {
        %add3A_92 = arith.constant 4 : i32
        %add3A_93 = arith.addi %add3A_76, %add3A_92 : i32
        %mul3A_94 = arith.constant 128 : i32
        %mul3A_95 = arith.muli %add3A_93, %mul3A_94 : i32
        %dma_start3A_96 = tpu.memref_slice %arg5[%mul3A_95] : memref<10240xi32, #tpu.memory_space<vmem>> -> memref<128xi32, #tpu.memory_space<vmem>>
        %dma_start3A_97 = arith.constant 0 : i32
        %dma_start3A_98 = arith.constant 0 : i32
        %dma_start3A_99 = tpu.memref_slice %arg2[%dma_start3A_97, %dma_start3A_98] : memref<10240x128xf32, #tpu.memory_space<hbm>> -> memref<10240x128xf32, #tpu.memory_space<hbm>>
        tpu.enqueue_indirect_dma source(%dma_start3A_99 : memref<10240x128xf32, #tpu.memory_space<hbm>>) target(%arg9 : memref<128x128xf32, #tpu.memory_space<vmem>>) offsets(%dma_start3A_96 : memref<128xi32, #tpu.memory_space<vmem>>) semaphore(%arg13 : memref<!tpu.dma_semaphore, #tpu.memory_space<semaphore_mem>>)
      } else {
      }
    }
    %scan3A_24 = arith.constant 20 : i32
    return
  }
}

module attributes {stable_mosaic.version = 14 : i64} {
  func.func @_node_mlp_body(%arg0: i32, %arg1: memref<1024x128xf32, #tpu.memory_space<vmem>>, %arg2: memref<128x128xf32, #tpu.memory_space<vmem>>, %arg3: memref<1x64xf32, #tpu.memory_space<vmem>>, %arg4: memref<1024x64xf32, #tpu.memory_space<vmem>>, %arg5: memref<1024x128xf32, #tpu.memory_space<vmem>>) attributes {dimension_semantics = [#tpu.dimension_semantics<arbitrary>], iteration_bounds = array<i64: 10>, scalar_prefetch = 0 : i64, scratch_operands = 0 : i64, tpu.core_type = #tpu.core_type<tc>, window_params = [{transform_indices = @transform_0, window_bounds = array<i64: 1024, 128>}, {pipeline_mode = #tpu.pipeline_mode<synchronous>, transform_indices = @transform_1, window_bounds = array<i64: 128, 128>}, {pipeline_mode = #tpu.pipeline_mode<synchronous>, transform_indices = @transform_2, window_bounds = array<i64: 1, 64>}, {transform_indices = @transform_3, window_bounds = array<i64: 1024, 64>}, {transform_indices = @transform_4, window_bounds = array<i64: 1024, 128>}]} {
    %get3A = arith.constant 0 : index
    %get3A_0 = arith.constant 0 : index
    %get3A_1 = vector.load %arg1[%get3A, %get3A_0] : memref<1024x128xf32, #tpu.memory_space<vmem>>, vector<1024x128xf32>
    %convert_element_type3A = arith.truncf %get3A_1 : vector<1024x128xf32> to vector<1024x128xbf16>
    %get3A_2 = arith.constant 0 : index
    %get3A_3 = arith.constant 0 : index
    %get3A_4 = vector.load %arg2[%get3A_2, %get3A_3] : memref<128x128xf32, #tpu.memory_space<vmem>>, vector<128x128xf32>
    %convert_element_type3A_5 = arith.truncf %get3A_4 : vector<128x128xf32> to vector<128x128xbf16>
    %dot_general3A = arith.constant dense<0.000000e+00> : vector<1024x128xf32>
    %dot_general3A_6 = tpu.matmul %convert_element_type3A, %convert_element_type3A_5, %dot_general3A {dimension_numbers = #tpu.dot_dimension_numbers<[1], [0], [0], [1], [0, 0, 1, 1], [], []>, transpose_lhs_hint = false} : vector<1024x128xbf16>, vector<128x128xbf16>, vector<1024x128xf32> -> vector<1024x128xf32>
    %slice3A = vector.extract_strided_slice %dot_general3A_6 {offsets = [0, 0], sizes = [1024, 64], strides = [1, 1]} : vector<1024x128xf32> to vector<1024x64xf32>
    %get3A_7 = arith.constant 0 : index
    %get3A_8 = arith.constant 0 : index
    %get3A_9 = vector.load %arg3[%get3A_7, %get3A_8] : memref<1x64xf32, #tpu.memory_space<vmem>>, vector<1x64xf32>
    %add3A = vector.broadcast %get3A_9 : vector<1x64xf32> to vector<1024x64xf32>
    %add3A_10 = arith.addf %slice3A, %add3A : vector<1024x64xf32>
    %swap3A = arith.constant 0 : index
    %swap3A_11 = arith.constant 0 : index
    %swap3A_12 = vector.load %arg4[%swap3A, %swap3A_11] : memref<1024x64xf32, #tpu.memory_space<vmem>>, vector<1024x64xf32>
    tpu.vector_store %arg4[%swap3A, %swap3A_11], %add3A_10 {strides = array<i32>} : memref<1024x64xf32, #tpu.memory_space<vmem>>, vector<1024x64xf32>,
    %slice3A_13 = vector.extract_strided_slice %dot_general3A_6 {offsets = [0, 64], sizes = [1024, 64], strides = [1, 1]} : vector<1024x128xf32> to vector<1024x64xf32>
    %broadcast_in_dim3A = arith.constant 0.000000e+00 : f32
    %broadcast_in_dim3A_14 = vector.broadcast %broadcast_in_dim3A : f32 to vector<1024x64xf32>
    %concatenate3A = tpu.concatenate %slice3A_13, %broadcast_in_dim3A_14 in 1 : vector<1024x64xf32>, vector<1024x64xf32> -> vector<1024x128xf32>
    %swap3A_15 = arith.constant 0 : index
    %swap3A_16 = arith.constant 0 : index
    %swap3A_17 = vector.load %arg5[%swap3A_15, %swap3A_16] : memref<1024x128xf32, #tpu.memory_space<vmem>>, vector<1024x128xf32>
    tpu.vector_store %arg5[%swap3A_15, %swap3A_16], %concatenate3A {strides = array<i32>} : memref<1024x128xf32, #tpu.memory_space<vmem>>, vector<1024x128xf32>,
    return
  }
  func.func @transform_0(%arg0: i32) -> (i32, i32) {
    %c0_i32 = arith.constant 0 : i32
    %c0_i32_0 = arith.constant 0 : i32
    return %arg0, %c0_i32 : i32, i32
  }
  func.func @transform_1(%arg0: i32) -> (i32, i32) {
    %c0_i32 = arith.constant 0 : i32
    %c0_i32_0 = arith.constant 0 : i32
    %c0_i32_1 = arith.constant 0 : i32
    return %c0_i32, %c0_i32_0 : i32, i32
  }
  func.func @transform_2(%arg0: i32) -> (i32, i32) {
    %c0_i32 = arith.constant 0 : i32
    %c0_i32_0 = arith.constant 0 : i32
    %c0_i32_1 = arith.constant 0 : i32
    return %c0_i32, %c0_i32_0 : i32, i32
  }
  func.func @transform_3(%arg0: i32) -> (i32, i32) {
    %c0_i32 = arith.constant 0 : i32
    %c0_i32_0 = arith.constant 0 : i32
    return %arg0, %c0_i32 : i32, i32
  }
  func.func @transform_4(%arg0: i32) -> (i32, i32) {
    %c0_i32 = arith.constant 0 : i32
    %c0_i32_0 = arith.constant 0 : i32
    return %arg0, %c0_i32 : i32, i32
  }
}

module attributes {stable_mosaic.version = 14 : i64} {
  func.func @_edge_score_body(%arg0: i32, %arg1: memref<32x128x128xf32, #tpu.memory_space<vmem>>, %arg2: memref<128x64xf32, #tpu.memory_space<vmem>>, %arg3: memref<1x64xf32, #tpu.memory_space<vmem>>, %arg4: memref<1x1xf32, #tpu.memory_space<vmem>>, %arg5: memref<32x128xf32, #tpu.memory_space<vmem>>, %arg6: memref<1x1xf32, #tpu.memory_space<vmem>>) attributes {dimension_semantics = [#tpu.dimension_semantics<arbitrary>], iteration_bounds = array<i64: 80>, scalar_prefetch = 0 : i64, scratch_operands = 0 : i64, tpu.core_type = #tpu.core_type<tc>, window_params = [{transform_indices = @transform_0, window_bounds = array<i64: 32, 128, 128>}, {transform_indices = @transform_1, window_bounds = array<i64: 128, 64>}, {pipeline_mode = #tpu.pipeline_mode<synchronous>, transform_indices = @transform_2, window_bounds = array<i64: 1, 64>}, {pipeline_mode = #tpu.pipeline_mode<synchronous>, transform_indices = @transform_3, window_bounds = array<i64: 1, 1>}, {transform_indices = @transform_4, window_bounds = array<i64: 32, 128>}, {pipeline_mode = #tpu.pipeline_mode<synchronous>, transform_indices = @transform_5, window_bounds = array<i64: 1, 1>}]} {
    %get3A = arith.constant 0 : index
    %get3A_0 = arith.constant 0 : index
    %get3A_1 = arith.constant 0 : index
    %get3A_2 = vector.load %arg1[%get3A, %get3A_0, %get3A_1] : memref<32x128x128xf32, #tpu.memory_space<vmem>>, vector<32x128x64xf32>
    %get3A_3 = arith.constant 0 : index
    %get3A_4 = arith.constant 0 : index
    %get3A_5 = vector.load %arg2[%get3A_3, %get3A_4] : memref<128x64xf32, #tpu.memory_space<vmem>>, vector<128x64xf32>
    %broadcast_in_dim3A = vector.shape_cast %get3A_5 : vector<128x64xf32> to vector<1x128x64xf32>
    %add3A = vector.broadcast %broadcast_in_dim3A : vector<1x128x64xf32> to vector<32x128x64xf32>
    %add3A_6 = arith.addf %get3A_2, %add3A : vector<32x128x64xf32>
    %max3A = arith.constant 0.000000e+00 : f32
    %max3A_7 = vector.broadcast %max3A : f32 to vector<32x128x64xf32>
    %max3A_8 = arith.maximumf %add3A_6, %max3A_7 : vector<32x128x64xf32>
    %convert_element_type3A = arith.truncf %max3A_8 : vector<32x128x64xf32> to vector<32x128x64xbf16>
    %convert_element_type3A_9 = arith.extf %convert_element_type3A : vector<32x128x64xbf16> to vector<32x128x64xf32>
    %get3A_10 = arith.constant 0 : index
    %get3A_11 = arith.constant 0 : index
    %get3A_12 = vector.load %arg3[%get3A_10, %get3A_11] : memref<1x64xf32, #tpu.memory_space<vmem>>, vector<1x64xf32>
    %convert_element_type3A_13 = arith.truncf %get3A_12 : vector<1x64xf32> to vector<1x64xbf16>
    %convert_element_type3A_14 = arith.extf %convert_element_type3A_13 : vector<1x64xbf16> to vector<1x64xf32>
    %reshape3A = vector.shape_cast %convert_element_type3A_14 : vector<1x64xf32> to vector<1x1x64xf32>
    %mul3A = vector.broadcast %reshape3A : vector<1x1x64xf32> to vector<32x128x64xf32>
    %mul3A_15 = arith.mulf %convert_element_type3A_9, %mul3A : vector<32x128x64xf32>
    %reduce_sum3A = arith.constant dense<0.000000e+00> : vector<32x128xf32>
    %reduce_sum3A_16 = vector.multi_reduction <add>, %mul3A_15, %reduce_sum3A [2] : vector<32x128x64xf32> to vector<32x128xf32>
    %get3A_17 = arith.constant 0 : index
    %get3A_18 = arith.constant 0 : index
    %get3A_19 = vector.load %arg4[%get3A_17, %get3A_18] : memref<1x1xf32, #tpu.memory_space<vmem>>, vector<1x1xf32>
    %add3A_20 = vector.broadcast %get3A_19 : vector<1x1xf32> to vector<32x128xf32>
    %add3A_21 = arith.addf %reduce_sum3A_16, %add3A_20 : vector<32x128xf32>
    %mul3A_22 = arith.constant 128 : i32
    %mul3A_23 = arith.muli %arg0, %mul3A_22 : i32
    %iota3A = tpu.iota {dimensions = array<i32: 1>} : vector<32x128xi32>
    %add3A_24 = vector.broadcast %mul3A_23 : i32 to vector<32x128xi32>
    %add3A_25 = arith.addi %add3A_24, %iota3A : vector<32x128xi32>
    %lt3A = arith.constant 10000 : i32
    %lt3A_26 = vector.broadcast %lt3A : i32 to vector<32x128xi32>
    %lt3A_27 = arith.cmpi slt, %add3A_25, %lt3A_26 : vector<32x128xi32>
    %jit3A = arith.constant 0.000000e+00 : f32
    %broadcast_in_dim3A_28 = vector.broadcast %jit3A : f32 to vector<32x128xf32>
    %select_n3A = arith.select %lt3A_27, %add3A_21, %broadcast_in_dim3A_28 : vector<32x128xi1>, vector<32x128xf32>
    %swap3A = arith.constant 0 : index
    %swap3A_29 = arith.constant 0 : index
    %swap3A_30 = vector.load %arg5[%swap3A, %swap3A_29] : memref<32x128xf32, #tpu.memory_space<vmem>>, vector<32x128xf32>
    tpu.vector_store %arg5[%swap3A, %swap3A_29], %select_n3A {strides = array<i32>} : memref<32x128xf32, #tpu.memory_space<vmem>>, vector<32x128xf32>,
    %eq3A = arith.constant 0 : i32
    %eq3A_31 = arith.cmpi eq, %arg0, %eq3A : i32
    %convert_element_type3A_32 = arith.extui %eq3A_31 : i1 to i32
    %cond3A = arith.constant 0 : i32
    %cond3A_33 = arith.cmpi ne, %convert_element_type3A_32, %cond3A : i32
    scf.if %cond3A_33 {
      %broadcast_in_dim3A_48 = arith.constant 0.000000e+00 : f32
      %broadcast_in_dim3A_49 = vector.broadcast %broadcast_in_dim3A_48 : f32 to vector<1x1xf32>
      %swap3A_50 = arith.constant 0 : index
      %swap3A_51 = arith.constant 0 : index
      %swap3A_52 = vector.load %arg6[%swap3A_50, %swap3A_51] : memref<1x1xf32, #tpu.memory_space<vmem>>, vector<1x1xf32>
      tpu.vector_store %arg6[%swap3A_50, %swap3A_51], %broadcast_in_dim3A_49 {strides = array<i32>} : memref<1x1xf32, #tpu.memory_space<vmem>>, vector<1x1xf32>,
    } else {
    }
    %get3A_34 = arith.constant 0 : index
    %get3A_35 = arith.constant 0 : index
    %get3A_36 = vector.load %arg6[%get3A_34, %get3A_35] : memref<1x1xf32, #tpu.memory_space<vmem>>, vector<1x1xf32>
    %mul3A_37 = arith.mulf %select_n3A, %select_n3A : vector<32x128xf32>
    %reduce_sum3A_38 = vector.shape_cast %mul3A_37 : vector<32x128xf32> to vector<1x32x128xf32>
    %reduce_sum3A_39 = arith.constant dense<0.000000e+00> : vector<1xf32>
    %reduce_sum3A_40 = vector.multi_reduction <add>, %reduce_sum3A_38, %reduce_sum3A_39 [1, 2] : vector<1x32x128xf32> to vector<1xf32>
    %reduce_sum3A_41 = vector.shape_cast %reduce_sum3A_40 : vector<1xf32> to vector<1x1x1xf32>
    %reduce_sum3A_42 = vector.extract %reduce_sum3A_41[0, 0, 0] : f32 from vector<1x1x1xf32>
    %broadcast_in_dim3A_43 = vector.broadcast %reduce_sum3A_42 : f32 to vector<1x1xf32>
    %add3A_44 = arith.addf %get3A_36, %broadcast_in_dim3A_43 : vector<1x1xf32>
    %swap3A_45 = arith.constant 0 : index
    %swap3A_46 = arith.constant 0 : index
    %swap3A_47 = vector.load %arg6[%swap3A_45, %swap3A_46] : memref<1x1xf32, #tpu.memory_space<vmem>>, vector<1x1xf32>
    tpu.vector_store %arg6[%swap3A_45, %swap3A_46], %add3A_44 {strides = array<i32>} : memref<1x1xf32, #tpu.memory_space<vmem>>, vector<1x1xf32>,
    return
  }
  func.func @transform_0(%arg0: i32) -> (i32, i32, i32) {
    %c0_i32 = arith.constant 0 : i32
    %c0_i32_0 = arith.constant 0 : i32
    %c0_i32_1 = arith.constant 0 : i32
    return %c0_i32, %arg0, %c0_i32_0 : i32, i32, i32
  }
  func.func @transform_1(%arg0: i32) -> (i32, i32) {
    %c0_i32 = arith.constant 0 : i32
    %c0_i32_0 = arith.constant 0 : i32
    return %arg0, %c0_i32 : i32, i32
  }
  func.func @transform_2(%arg0: i32) -> (i32, i32) {
    %c0_i32 = arith.constant 0 : i32
    %c0_i32_0 = arith.constant 0 : i32
    %c0_i32_1 = arith.constant 0 : i32
    return %c0_i32, %c0_i32_0 : i32, i32
  }
  func.func @transform_3(%arg0: i32) -> (i32, i32) {
    %c0_i32 = arith.constant 0 : i32
    %c0_i32_0 = arith.constant 0 : i32
    %c0_i32_1 = arith.constant 0 : i32
    return %c0_i32, %c0_i32_0 : i32, i32
  }
  func.func @transform_4(%arg0: i32) -> (i32, i32) {
    %c0_i32 = arith.constant 0 : i32
    %c0_i32_0 = arith.constant 0 : i32
    return %c0_i32, %arg0 : i32, i32
  }
  func.func @transform_5(%arg0: i32) -> (i32, i32) {
    %c0_i32 = arith.constant 0 : i32
    %c0_i32_0 = arith.constant 0 : i32
    %c0_i32_1 = arith.constant 0 : i32
    return %c0_i32, %c0_i32_0 : i32, i32
  }
}

module attributes {stable_mosaic.version = 14 : i64} {
  func.func @_topk_body(%arg0: i32, %arg1: memref<32x1024xf32, #tpu.memory_space<vmem>>, %arg2: memref<32x1024xi32, #tpu.memory_space<vmem>>, %arg3: memref<1x1xf32, #tpu.memory_space<vmem>>, %arg4: memref<32x1024xf32, #tpu.memory_space<vmem>>) attributes {dimension_semantics = [#tpu.dimension_semantics<arbitrary>], iteration_bounds = array<i64: 10>, scalar_prefetch = 0 : i64, scratch_operands = 0 : i64, tpu.core_type = #tpu.core_type<tc>, window_params = [{transform_indices = @transform_0, window_bounds = array<i64: 32, 1024>}, {transform_indices = @transform_1, window_bounds = array<i64: 32, 1024>}, {pipeline_mode = #tpu.pipeline_mode<synchronous>, transform_indices = @transform_2, window_bounds = array<i64: 1, 1>}, {transform_indices = @transform_3, window_bounds = array<i64: 32, 1024>}]} {
    %get3A = arith.constant 0 : index
    %get3A_0 = arith.constant 0 : index
    %get3A_1 = vector.load %arg3[%get3A, %get3A_0] : memref<1x1xf32, #tpu.memory_space<vmem>>, vector<1x1xf32>
    %sqrt3A = math.sqrt %get3A_1 : vector<1x1xf32>
    %max3A = arith.constant 9.99999996E-13 : f32
    %max3A_2 = vector.broadcast %max3A : f32 to vector<1x1xf32>
    %max3A_3 = arith.maximumf %sqrt3A, %max3A_2 : vector<1x1xf32>
    %div3A = arith.constant 1.000000e+00 : f32
    %div3A_4 = vector.broadcast %div3A : f32 to vector<1x1xf32>
    %div3A_5 = arith.divf %div3A_4, %max3A_3 : vector<1x1xf32>
    %get3A_6 = arith.constant 0 : index
    %get3A_7 = arith.constant 0 : index
    %get3A_8 = vector.load %arg1[%get3A_6, %get3A_7] : memref<32x1024xf32, #tpu.memory_space<vmem>>, vector<32x1024xf32>
    %mul3A = vector.broadcast %div3A_5 : vector<1x1xf32> to vector<32x1024xf32>
    %mul3A_9 = arith.mulf %get3A_8, %mul3A : vector<32x1024xf32>
    %reduce_max3A = arith.constant dense<0xFF800000> : vector<1024xf32>
    %reduce_max3A_10 = vector.multi_reduction <maximumf>, %mul3A_9, %reduce_max3A [0] : vector<32x1024xf32> to vector<1024xf32>
    %broadcast_in_dim3A = vector.shape_cast %reduce_max3A_10 : vector<1024xf32> to vector<1x1024xf32>
    %sub3A = vector.broadcast %broadcast_in_dim3A : vector<1x1024xf32> to vector<32x1024xf32>
    %sub3A_11 = arith.subf %mul3A_9, %sub3A : vector<32x1024xf32>
    %exp3A = math.exp %sub3A_11 : vector<32x1024xf32>
    %reduce_sum3A = arith.constant dense<0.000000e+00> : vector<1024xf32>
    %reduce_sum3A_12 = vector.multi_reduction <add>, %exp3A, %reduce_sum3A [0] : vector<32x1024xf32> to vector<1024xf32>
    %broadcast_in_dim3A_13 = vector.shape_cast %reduce_sum3A_12 : vector<1024xf32> to vector<1x1024xf32>
    %div3A_14 = vector.broadcast %broadcast_in_dim3A_13 : vector<1x1024xf32> to vector<32x1024xf32>
    %div3A_15 = arith.divf %exp3A, %div3A_14 : vector<32x1024xf32>
    %broadcast_in_dim3A_16 = arith.constant 0.000000e+00 : f32
    %broadcast_in_dim3A_17 = vector.broadcast %broadcast_in_dim3A_16 : f32 to vector<32x1024xf32>
    %slice3A = vector.extract_strided_slice %div3A_15 {offsets = [0, 0], sizes = [1, 1024], strides = [1, 1]} : vector<32x1024xf32> to vector<1x1024xf32>
    %gt3A = vector.broadcast %slice3A : vector<1x1024xf32> to vector<32x1024xf32>
    %gt3A_18 = arith.cmpf ogt, %gt3A, %div3A_15 : vector<32x1024xf32>
    %convert_element_type3A = arith.extui %gt3A_18 : vector<32x1024xi1> to vector<32x1024xi32>
    %convert_element_type3A_19 = arith.sitofp %convert_element_type3A : vector<32x1024xi32> to vector<32x1024xf32>
    %add3A = arith.addf %broadcast_in_dim3A_17, %convert_element_type3A_19 : vector<32x1024xf32>
    %slice3A_20 = vector.extract_strided_slice %div3A_15 {offsets = [1, 0], sizes = [1, 1024], strides = [1, 1]} : vector<32x1024xf32> to vector<1x1024xf32>
    %gt3A_21 = vector.broadcast %slice3A_20 : vector<1x1024xf32> to vector<32x1024xf32>
    %gt3A_22 = arith.cmpf ogt, %gt3A_21, %div3A_15 : vector<32x1024xf32>
    %convert_element_type3A_23 = arith.extui %gt3A_22 : vector<32x1024xi1> to vector<32x1024xi32>
    %convert_element_type3A_24 = arith.sitofp %convert_element_type3A_23 : vector<32x1024xi32> to vector<32x1024xf32>
    %add3A_25 = arith.addf %add3A, %convert_element_type3A_24 : vector<32x1024xf32>
    %slice3A_26 = vector.extract_strided_slice %div3A_15 {offsets = [2, 0], sizes = [1, 1024], strides = [1, 1]} : vector<32x1024xf32> to vector<1x1024xf32>
    %gt3A_27 = vector.broadcast %slice3A_26 : vector<1x1024xf32> to vector<32x1024xf32>
    %gt3A_28 = arith.cmpf ogt, %gt3A_27, %div3A_15 : vector<32x1024xf32>
    %convert_element_type3A_29 = arith.extui %gt3A_28 : vector<32x1024xi1> to vector<32x1024xi32>
    %convert_element_type3A_30 = arith.sitofp %convert_element_type3A_29 : vector<32x1024xi32> to vector<32x1024xf32>
    %add3A_31 = arith.addf %add3A_25, %convert_element_type3A_30 : vector<32x1024xf32>
    %slice3A_32 = vector.extract_strided_slice %div3A_15 {offsets = [3, 0], sizes = [1, 1024], strides = [1, 1]} : vector<32x1024xf32> to vector<1x1024xf32>
    %gt3A_33 = vector.broadcast %slice3A_32 : vector<1x1024xf32> to vector<32x1024xf32>
    %gt3A_34 = arith.cmpf ogt, %gt3A_33, %div3A_15 : vector<32x1024xf32>
    %convert_element_type3A_35 = arith.extui %gt3A_34 : vector<32x1024xi1> to vector<32x1024xi32>
    %convert_element_type3A_36 = arith.sitofp %convert_element_type3A_35 : vector<32x1024xi32> to vector<32x1024xf32>
    %add3A_37 = arith.addf %add3A_31, %convert_element_type3A_36 : vector<32x1024xf32>
    %slice3A_38 = vector.extract_strided_slice %div3A_15 {offsets = [4, 0], sizes = [1, 1024], strides = [1, 1]} : vector<32x1024xf32> to vector<1x1024xf32>
    %gt3A_39 = vector.broadcast %slice3A_38 : vector<1x1024xf32> to vector<32x1024xf32>
    %gt3A_40 = arith.cmpf ogt, %gt3A_39, %div3A_15 : vector<32x1024xf32>
    %convert_element_type3A_41 = arith.extui %gt3A_40 : vector<32x1024xi1> to vector<32x1024xi32>
    %convert_element_type3A_42 = arith.sitofp %convert_element_type3A_41 : vector<32x1024xi32> to vector<32x1024xf32>
    %add3A_43 = arith.addf %add3A_37, %convert_element_type3A_42 : vector<32x1024xf32>
    %slice3A_44 = vector.extract_strided_slice %div3A_15 {offsets = [5, 0], sizes = [1, 1024], strides = [1, 1]} : vector<32x1024xf32> to vector<1x1024xf32>
    %gt3A_45 = vector.broadcast %slice3A_44 : vector<1x1024xf32> to vector<32x1024xf32>
    %gt3A_46 = arith.cmpf ogt, %gt3A_45, %div3A_15 : vector<32x1024xf32>
    %convert_element_type3A_47 = arith.extui %gt3A_46 : vector<32x1024xi1> to vector<32x1024xi32>
    %convert_element_type3A_48 = arith.sitofp %convert_element_type3A_47 : vector<32x1024xi32> to vector<32x1024xf32>
    %add3A_49 = arith.addf %add3A_43, %convert_element_type3A_48 : vector<32x1024xf32>
    %slice3A_50 = vector.extract_strided_slice %div3A_15 {offsets = [6, 0], sizes = [1, 1024], strides = [1, 1]} : vector<32x1024xf32> to vector<1x1024xf32>
    %gt3A_51 = vector.broadcast %slice3A_50 : vector<1x1024xf32> to vector<32x1024xf32>
    %gt3A_52 = arith.cmpf ogt, %gt3A_51, %div3A_15 : vector<32x1024xf32>
    %convert_element_type3A_53 = arith.extui %gt3A_52 : vector<32x1024xi1> to vector<32x1024xi32>
    %convert_element_type3A_54 = arith.sitofp %convert_element_type3A_53 : vector<32x1024xi32> to vector<32x1024xf32>
    %add3A_55 = arith.addf %add3A_49, %convert_element_type3A_54 : vector<32x1024xf32>
    %slice3A_56 = vector.extract_strided_slice %div3A_15 {offsets = [7, 0], sizes = [1, 1024], strides = [1, 1]} : vector<32x1024xf32> to vector<1x1024xf32>
    %gt3A_57 = vector.broadcast %slice3A_56 : vector<1x1024xf32> to vector<32x1024xf32>
    %gt3A_58 = arith.cmpf ogt, %gt3A_57, %div3A_15 : vector<32x1024xf32>
    %convert_element_type3A_59 = arith.extui %gt3A_58 : vector<32x1024xi1> to vector<32x1024xi32>
    %convert_element_type3A_60 = arith.sitofp %convert_element_type3A_59 : vector<32x1024xi32> to vector<32x1024xf32>
    %add3A_61 = arith.addf %add3A_55, %convert_element_type3A_60 : vector<32x1024xf32>
    %slice3A_62 = vector.extract_strided_slice %div3A_15 {offsets = [8, 0], sizes = [1, 1024], strides = [1, 1]} : vector<32x1024xf32> to vector<1x1024xf32>
    %gt3A_63 = vector.broadcast %slice3A_62 : vector<1x1024xf32> to vector<32x1024xf32>
    %gt3A_64 = arith.cmpf ogt, %gt3A_63, %div3A_15 : vector<32x1024xf32>
    %convert_element_type3A_65 = arith.extui %gt3A_64 : vector<32x1024xi1> to vector<32x1024xi32>
    %convert_element_type3A_66 = arith.sitofp %convert_element_type3A_65 : vector<32x1024xi32> to vector<32x1024xf32>
    %add3A_67 = arith.addf %add3A_61, %convert_element_type3A_66 : vector<32x1024xf32>
    %slice3A_68 = vector.extract_strided_slice %div3A_15 {offsets = [9, 0], sizes = [1, 1024], strides = [1, 1]} : vector<32x1024xf32> to vector<1x1024xf32>
    %gt3A_69 = vector.broadcast %slice3A_68 : vector<1x1024xf32> to vector<32x1024xf32>
    %gt3A_70 = arith.cmpf ogt, %gt3A_69, %div3A_15 : vector<32x1024xf32>
    %convert_element_type3A_71 = arith.extui %gt3A_70 : vector<32x1024xi1> to vector<32x1024xi32>
    %convert_element_type3A_72 = arith.sitofp %convert_element_type3A_71 : vector<32x1024xi32> to vector<32x1024xf32>
    %add3A_73 = arith.addf %add3A_67, %convert_element_type3A_72 : vector<32x1024xf32>
    %slice3A_74 = vector.extract_strided_slice %div3A_15 {offsets = [10, 0], sizes = [1, 1024], strides = [1, 1]} : vector<32x1024xf32> to vector<1x1024xf32>
    %gt3A_75 = vector.broadcast %slice3A_74 : vector<1x1024xf32> to vector<32x1024xf32>
    %gt3A_76 = arith.cmpf ogt, %gt3A_75, %div3A_15 : vector<32x1024xf32>
    %convert_element_type3A_77 = arith.extui %gt3A_76 : vector<32x1024xi1> to vector<32x1024xi32>
    %convert_element_type3A_78 = arith.sitofp %convert_element_type3A_77 : vector<32x1024xi32> to vector<32x1024xf32>
    %add3A_79 = arith.addf %add3A_73, %convert_element_type3A_78 : vector<32x1024xf32>
    %slice3A_80 = vector.extract_strided_slice %div3A_15 {offsets = [11, 0], sizes = [1, 1024], strides = [1, 1]} : vector<32x1024xf32> to vector<1x1024xf32>
    %gt3A_81 = vector.broadcast %slice3A_80 : vector<1x1024xf32> to vector<32x1024xf32>
    %gt3A_82 = arith.cmpf ogt, %gt3A_81, %div3A_15 : vector<32x1024xf32>
    %convert_element_type3A_83 = arith.extui %gt3A_82 : vector<32x1024xi1> to vector<32x1024xi32>
    %convert_element_type3A_84 = arith.sitofp %convert_element_type3A_83 : vector<32x1024xi32> to vector<32x1024xf32>
    %add3A_85 = arith.addf %add3A_79, %convert_element_type3A_84 : vector<32x1024xf32>
    %slice3A_86 = vector.extract_strided_slice %div3A_15 {offsets = [12, 0], sizes = [1, 1024], strides = [1, 1]} : vector<32x1024xf32> to vector<1x1024xf32>
    %gt3A_87 = vector.broadcast %slice3A_86 : vector<1x1024xf32> to vector<32x1024xf32>
    %gt3A_88 = arith.cmpf ogt, %gt3A_87, %div3A_15 : vector<32x1024xf32>
    %convert_element_type3A_89 = arith.extui %gt3A_88 : vector<32x1024xi1> to vector<32x1024xi32>
    %convert_element_type3A_90 = arith.sitofp %convert_element_type3A_89 : vector<32x1024xi32> to vector<32x1024xf32>
    %add3A_91 = arith.addf %add3A_85, %convert_element_type3A_90 : vector<32x1024xf32>
    %slice3A_92 = vector.extract_strided_slice %div3A_15 {offsets = [13, 0], sizes = [1, 1024], strides = [1, 1]} : vector<32x1024xf32> to vector<1x1024xf32>
    %gt3A_93 = vector.broadcast %slice3A_92 : vector<1x1024xf32> to vector<32x1024xf32>
    %gt3A_94 = arith.cmpf ogt, %gt3A_93, %div3A_15 : vector<32x1024xf32>
    %convert_element_type3A_95 = arith.extui %gt3A_94 : vector<32x1024xi1> to vector<32x1024xi32>
    %convert_element_type3A_96 = arith.sitofp %convert_element_type3A_95 : vector<32x1024xi32> to vector<32x1024xf32>
    %add3A_97 = arith.addf %add3A_91, %convert_element_type3A_96 : vector<32x1024xf32>
    %slice3A_98 = vector.extract_strided_slice %div3A_15 {offsets = [14, 0], sizes = [1, 1024], strides = [1, 1]} : vector<32x1024xf32> to vector<1x1024xf32>
    %gt3A_99 = vector.broadcast %slice3A_98 : vector<1x1024xf32> to vector<32x1024xf32>
    %gt3A_100 = arith.cmpf ogt, %gt3A_99, %div3A_15 : vector<32x1024xf32>
    %convert_element_type3A_101 = arith.extui %gt3A_100 : vector<32x1024xi1> to vector<32x1024xi32>
    %convert_element_type3A_102 = arith.sitofp %convert_element_type3A_101 : vector<32x1024xi32> to vector<32x1024xf32>
    %add3A_103 = arith.addf %add3A_97, %convert_element_type3A_102 : vector<32x1024xf32>
    %slice3A_104 = vector.extract_strided_slice %div3A_15 {offsets = [15, 0], sizes = [1, 1024], strides = [1, 1]} : vector<32x1024xf32> to vector<1x1024xf32>
    %gt3A_105 = vector.broadcast %slice3A_104 : vector<1x1024xf32> to vector<32x1024xf32>
    %gt3A_106 = arith.cmpf ogt, %gt3A_105, %div3A_15 : vector<32x1024xf32>
    %convert_element_type3A_107 = arith.extui %gt3A_106 : vector<32x1024xi1> to vector<32x1024xi32>
    %convert_element_type3A_108 = arith.sitofp %convert_element_type3A_107 : vector<32x1024xi32> to vector<32x1024xf32>
    %add3A_109 = arith.addf %add3A_103, %convert_element_type3A_108 : vector<32x1024xf32>
    %slice3A_110 = vector.extract_strided_slice %div3A_15 {offsets = [16, 0], sizes = [1, 1024], strides = [1, 1]} : vector<32x1024xf32> to vector<1x1024xf32>
    %gt3A_111 = vector.broadcast %slice3A_110 : vector<1x1024xf32> to vector<32x1024xf32>
    %gt3A_112 = arith.cmpf ogt, %gt3A_111, %div3A_15 : vector<32x1024xf32>
    %convert_element_type3A_113 = arith.extui %gt3A_112 : vector<32x1024xi1> to vector<32x1024xi32>
    %convert_element_type3A_114 = arith.sitofp %convert_element_type3A_113 : vector<32x1024xi32> to vector<32x1024xf32>
    %add3A_115 = arith.addf %add3A_109, %convert_element_type3A_114 : vector<32x1024xf32>
    %slice3A_116 = vector.extract_strided_slice %div3A_15 {offsets = [17, 0], sizes = [1, 1024], strides = [1, 1]} : vector<32x1024xf32> to vector<1x1024xf32>
    %gt3A_117 = vector.broadcast %slice3A_116 : vector<1x1024xf32> to vector<32x1024xf32>
    %gt3A_118 = arith.cmpf ogt, %gt3A_117, %div3A_15 : vector<32x1024xf32>
    %convert_element_type3A_119 = arith.extui %gt3A_118 : vector<32x1024xi1> to vector<32x1024xi32>
    %convert_element_type3A_120 = arith.sitofp %convert_element_type3A_119 : vector<32x1024xi32> to vector<32x1024xf32>
    %add3A_121 = arith.addf %add3A_115, %convert_element_type3A_120 : vector<32x1024xf32>
    %slice3A_122 = vector.extract_strided_slice %div3A_15 {offsets = [18, 0], sizes = [1, 1024], strides = [1, 1]} : vector<32x1024xf32> to vector<1x1024xf32>
    %gt3A_123 = vector.broadcast %slice3A_122 : vector<1x1024xf32> to vector<32x1024xf32>
    %gt3A_124 = arith.cmpf ogt, %gt3A_123, %div3A_15 : vector<32x1024xf32>
    %convert_element_type3A_125 = arith.extui %gt3A_124 : vector<32x1024xi1> to vector<32x1024xi32>
    %convert_element_type3A_126 = arith.sitofp %convert_element_type3A_125 : vector<32x1024xi32> to vector<32x1024xf32>
    %add3A_127 = arith.addf %add3A_121, %convert_element_type3A_126 : vector<32x1024xf32>
    %slice3A_128 = vector.extract_strided_slice %div3A_15 {offsets = [19, 0], sizes = [1, 1024], strides = [1, 1]} : vector<32x1024xf32> to vector<1x1024xf32>
    %gt3A_129 = vector.broadcast %slice3A_128 : vector<1x1024xf32> to vector<32x1024xf32>
    %gt3A_130 = arith.cmpf ogt, %gt3A_129, %div3A_15 : vector<32x1024xf32>
    %convert_element_type3A_131 = arith.extui %gt3A_130 : vector<32x1024xi1> to vector<32x1024xi32>
    %convert_element_type3A_132 = arith.sitofp %convert_element_type3A_131 : vector<32x1024xi32> to vector<32x1024xf32>
    %add3A_133 = arith.addf %add3A_127, %convert_element_type3A_132 : vector<32x1024xf32>
    %slice3A_134 = vector.extract_strided_slice %div3A_15 {offsets = [20, 0], sizes = [1, 1024], strides = [1, 1]} : vector<32x1024xf32> to vector<1x1024xf32>
    %gt3A_135 = vector.broadcast %slice3A_134 : vector<1x1024xf32> to vector<32x1024xf32>
    %gt3A_136 = arith.cmpf ogt, %gt3A_135, %div3A_15 : vector<32x1024xf32>
    %convert_element_type3A_137 = arith.extui %gt3A_136 : vector<32x1024xi1> to vector<32x1024xi32>
    %convert_element_type3A_138 = arith.sitofp %convert_element_type3A_137 : vector<32x1024xi32> to vector<32x1024xf32>
    %add3A_139 = arith.addf %add3A_133, %convert_element_type3A_138 : vector<32x1024xf32>
    %slice3A_140 = vector.extract_strided_slice %div3A_15 {offsets = [21, 0], sizes = [1, 1024], strides = [1, 1]} : vector<32x1024xf32> to vector<1x1024xf32>
    %gt3A_141 = vector.broadcast %slice3A_140 : vector<1x1024xf32> to vector<32x1024xf32>
    %gt3A_142 = arith.cmpf ogt, %gt3A_141, %div3A_15 : vector<32x1024xf32>
    %convert_element_type3A_143 = arith.extui %gt3A_142 : vector<32x1024xi1> to vector<32x1024xi32>
    %convert_element_type3A_144 = arith.sitofp %convert_element_type3A_143 : vector<32x1024xi32> to vector<32x1024xf32>
    %add3A_145 = arith.addf %add3A_139, %convert_element_type3A_144 : vector<32x1024xf32>
    %slice3A_146 = vector.extract_strided_slice %div3A_15 {offsets = [22, 0], sizes = [1, 1024], strides = [1, 1]} : vector<32x1024xf32> to vector<1x1024xf32>
    %gt3A_147 = vector.broadcast %slice3A_146 : vector<1x1024xf32> to vector<32x1024xf32>
    %gt3A_148 = arith.cmpf ogt, %gt3A_147, %div3A_15 : vector<32x1024xf32>
    %convert_element_type3A_149 = arith.extui %gt3A_148 : vector<32x1024xi1> to vector<32x1024xi32>
    %convert_element_type3A_150 = arith.sitofp %convert_element_type3A_149 : vector<32x1024xi32> to vector<32x1024xf32>
    %add3A_151 = arith.addf %add3A_145, %convert_element_type3A_150 : vector<32x1024xf32>
    %slice3A_152 = vector.extract_strided_slice %div3A_15 {offsets = [23, 0], sizes = [1, 1024], strides = [1, 1]} : vector<32x1024xf32> to vector<1x1024xf32>
    %gt3A_153 = vector.broadcast %slice3A_152 : vector<1x1024xf32> to vector<32x1024xf32>
    %gt3A_154 = arith.cmpf ogt, %gt3A_153, %div3A_15 : vector<32x1024xf32>
    %convert_element_type3A_155 = arith.extui %gt3A_154 : vector<32x1024xi1> to vector<32x1024xi32>
    %convert_element_type3A_156 = arith.sitofp %convert_element_type3A_155 : vector<32x1024xi32> to vector<32x1024xf32>
    %add3A_157 = arith.addf %add3A_151, %convert_element_type3A_156 : vector<32x1024xf32>
    %slice3A_158 = vector.extract_strided_slice %div3A_15 {offsets = [24, 0], sizes = [1, 1024], strides = [1, 1]} : vector<32x1024xf32> to vector<1x1024xf32>
    %gt3A_159 = vector.broadcast %slice3A_158 : vector<1x1024xf32> to vector<32x1024xf32>
    %gt3A_160 = arith.cmpf ogt, %gt3A_159, %div3A_15 : vector<32x1024xf32>
    %convert_element_type3A_161 = arith.extui %gt3A_160 : vector<32x1024xi1> to vector<32x1024xi32>
    %convert_element_type3A_162 = arith.sitofp %convert_element_type3A_161 : vector<32x1024xi32> to vector<32x1024xf32>
    %add3A_163 = arith.addf %add3A_157, %convert_element_type3A_162 : vector<32x1024xf32>
    %slice3A_164 = vector.extract_strided_slice %div3A_15 {offsets = [25, 0], sizes = [1, 1024], strides = [1, 1]} : vector<32x1024xf32> to vector<1x1024xf32>
    %gt3A_165 = vector.broadcast %slice3A_164 : vector<1x1024xf32> to vector<32x1024xf32>
    %gt3A_166 = arith.cmpf ogt, %gt3A_165, %div3A_15 : vector<32x1024xf32>
    %convert_element_type3A_167 = arith.extui %gt3A_166 : vector<32x1024xi1> to vector<32x1024xi32>
    %convert_element_type3A_168 = arith.sitofp %convert_element_type3A_167 : vector<32x1024xi32> to vector<32x1024xf32>
    %add3A_169 = arith.addf %add3A_163, %convert_element_type3A_168 : vector<32x1024xf32>
    %slice3A_170 = vector.extract_strided_slice %div3A_15 {offsets = [26, 0], sizes = [1, 1024], strides = [1, 1]} : vector<32x1024xf32> to vector<1x1024xf32>
    %gt3A_171 = vector.broadcast %slice3A_170 : vector<1x1024xf32> to vector<32x1024xf32>
    %gt3A_172 = arith.cmpf ogt, %gt3A_171, %div3A_15 : vector<32x1024xf32>
    %convert_element_type3A_173 = arith.extui %gt3A_172 : vector<32x1024xi1> to vector<32x1024xi32>
    %convert_element_type3A_174 = arith.sitofp %convert_element_type3A_173 : vector<32x1024xi32> to vector<32x1024xf32>
    %add3A_175 = arith.addf %add3A_169, %convert_element_type3A_174 : vector<32x1024xf32>
    %slice3A_176 = vector.extract_strided_slice %div3A_15 {offsets = [27, 0], sizes = [1, 1024], strides = [1, 1]} : vector<32x1024xf32> to vector<1x1024xf32>
    %gt3A_177 = vector.broadcast %slice3A_176 : vector<1x1024xf32> to vector<32x1024xf32>
    %gt3A_178 = arith.cmpf ogt, %gt3A_177, %div3A_15 : vector<32x1024xf32>
    %convert_element_type3A_179 = arith.extui %gt3A_178 : vector<32x1024xi1> to vector<32x1024xi32>
    %convert_element_type3A_180 = arith.sitofp %convert_element_type3A_179 : vector<32x1024xi32> to vector<32x1024xf32>
    %add3A_181 = arith.addf %add3A_175, %convert_element_type3A_180 : vector<32x1024xf32>
    %slice3A_182 = vector.extract_strided_slice %div3A_15 {offsets = [28, 0], sizes = [1, 1024], strides = [1, 1]} : vector<32x1024xf32> to vector<1x1024xf32>
    %gt3A_183 = vector.broadcast %slice3A_182 : vector<1x1024xf32> to vector<32x1024xf32>
    %gt3A_184 = arith.cmpf ogt, %gt3A_183, %div3A_15 : vector<32x1024xf32>
    %convert_element_type3A_185 = arith.extui %gt3A_184 : vector<32x1024xi1> to vector<32x1024xi32>
    %convert_element_type3A_186 = arith.sitofp %convert_element_type3A_185 : vector<32x1024xi32> to vector<32x1024xf32>
    %add3A_187 = arith.addf %add3A_181, %convert_element_type3A_186 : vector<32x1024xf32>
    %slice3A_188 = vector.extract_strided_slice %div3A_15 {offsets = [29, 0], sizes = [1, 1024], strides = [1, 1]} : vector<32x1024xf32> to vector<1x1024xf32>
    %gt3A_189 = vector.broadcast %slice3A_188 : vector<1x1024xf32> to vector<32x1024xf32>
    %gt3A_190 = arith.cmpf ogt, %gt3A_189, %div3A_15 : vector<32x1024xf32>
    %convert_element_type3A_191 = arith.extui %gt3A_190 : vector<32x1024xi1> to vector<32x1024xi32>
    %convert_element_type3A_192 = arith.sitofp %convert_element_type3A_191 : vector<32x1024xi32> to vector<32x1024xf32>
    %add3A_193 = arith.addf %add3A_187, %convert_element_type3A_192 : vector<32x1024xf32>
    %slice3A_194 = vector.extract_strided_slice %div3A_15 {offsets = [30, 0], sizes = [1, 1024], strides = [1, 1]} : vector<32x1024xf32> to vector<1x1024xf32>
    %gt3A_195 = vector.broadcast %slice3A_194 : vector<1x1024xf32> to vector<32x1024xf32>
    %gt3A_196 = arith.cmpf ogt, %gt3A_195, %div3A_15 : vector<32x1024xf32>
    %convert_element_type3A_197 = arith.extui %gt3A_196 : vector<32x1024xi1> to vector<32x1024xi32>
    %convert_element_type3A_198 = arith.sitofp %convert_element_type3A_197 : vector<32x1024xi32> to vector<32x1024xf32>
    %add3A_199 = arith.addf %add3A_193, %convert_element_type3A_198 : vector<32x1024xf32>
    %slice3A_200 = vector.extract_strided_slice %div3A_15 {offsets = [31, 0], sizes = [1, 1024], strides = [1, 1]} : vector<32x1024xf32> to vector<1x1024xf32>
    %gt3A_201 = vector.broadcast %slice3A_200 : vector<1x1024xf32> to vector<32x1024xf32>
    %gt3A_202 = arith.cmpf ogt, %gt3A_201, %div3A_15 : vector<32x1024xf32>
    %convert_element_type3A_203 = arith.extui %gt3A_202 : vector<32x1024xi1> to vector<32x1024xi32>
    %convert_element_type3A_204 = arith.sitofp %convert_element_type3A_203 : vector<32x1024xi32> to vector<32x1024xf32>
    %add3A_205 = arith.addf %add3A_199, %convert_element_type3A_204 : vector<32x1024xf32>
    %le3A = arith.constant 1.500000e+01 : f32
    %le3A_206 = vector.broadcast %le3A : f32 to vector<32x1024xf32>
    %le3A_207 = arith.cmpf ole, %add3A_205, %le3A_206 : vector<32x1024xf32>
    %jit3A = arith.constant 0x7F800000 : f32
    %broadcast_in_dim3A_208 = vector.broadcast %jit3A : f32 to vector<32x1024xf32>
    %select_n3A = arith.select %le3A_207, %div3A_15, %broadcast_in_dim3A_208 : vector<32x1024xi1>, vector<32x1024xf32>
    %reduce_min3A = arith.constant dense<0x7F800000> : vector<1024xf32>
    %reduce_min3A_209 = vector.multi_reduction <minimumf>, %select_n3A, %reduce_min3A [0] : vector<32x1024xf32> to vector<1024xf32>
    %broadcast_in_dim3A_210 = vector.shape_cast %reduce_min3A_209 : vector<1024xf32> to vector<1x1024xf32>
    %sub3A_211 = vector.broadcast %broadcast_in_dim3A_210 : vector<1x1024xf32> to vector<32x1024xf32>
    %sub3A_212 = arith.subf %div3A_15, %sub3A_211 : vector<32x1024xf32>
    %add3A_213 = arith.constant 1.000000e-15 : f32
    %add3A_214 = vector.broadcast %add3A_213 : f32 to vector<32x1024xf32>
    %add3A_215 = arith.addf %sub3A_212, %add3A_214 : vector<32x1024xf32>
    %gt3A_216 = arith.constant 0.000000e+00 : f32
    %gt3A_217 = vector.broadcast %gt3A_216 : f32 to vector<32x1024xf32>
    %gt3A_218 = arith.cmpf ogt, %add3A_215, %gt3A_217 : vector<32x1024xf32>
    %jit3A_219 = arith.constant 0.000000e+00 : f32
    %broadcast_in_dim3A_220 = vector.broadcast %jit3A_219 : f32 to vector<32x1024xf32>
    %select_n3A_221 = arith.select %gt3A_218, %div3A_15, %broadcast_in_dim3A_220 : vector<32x1024xi1>, vector<32x1024xf32>
    %get3A_222 = arith.constant 0 : index
    %get3A_223 = arith.constant 0 : index
    %get3A_224 = vector.load %arg2[%get3A_222, %get3A_223] : memref<32x1024xi32, #tpu.memory_space<vmem>>, vector<32x1024xi32>
    %broadcast_in_dim3A_225 = arith.constant 0 : i32
    %broadcast_in_dim3A_226 = vector.broadcast %broadcast_in_dim3A_225 : i32 to vector<32x1024xi32>
    %slice3A_227 = vector.extract_strided_slice %get3A_224 {offsets = [0, 0], sizes = [1, 1024], strides = [1, 1]} : vector<32x1024xi32> to vector<1x1024xi32>
    %lt3A = vector.broadcast %slice3A_227 : vector<1x1024xi32> to vector<32x1024xi32>
    %lt3A_228 = arith.cmpi slt, %lt3A, %get3A_224 : vector<32x1024xi32>
    %convert_element_type3A_229 = arith.extui %lt3A_228 : vector<32x1024xi1> to vector<32x1024xi32>
    %add3A_230 = arith.addi %broadcast_in_dim3A_226, %convert_element_type3A_229 : vector<32x1024xi32>
    %slice3A_231 = vector.extract_strided_slice %get3A_224 {offsets = [1, 0], sizes = [1, 1024], strides = [1, 1]} : vector<32x1024xi32> to vector<1x1024xi32>
    %lt3A_232 = vector.broadcast %slice3A_231 : vector<1x1024xi32> to vector<32x1024xi32>
    %lt3A_233 = arith.cmpi slt, %lt3A_232, %get3A_224 : vector<32x1024xi32>
    %convert_element_type3A_234 = arith.extui %lt3A_233 : vector<32x1024xi1> to vector<32x1024xi32>
    %add3A_235 = arith.addi %add3A_230, %convert_element_type3A_234 : vector<32x1024xi32>
    %slice3A_236 = vector.extract_strided_slice %get3A_224 {offsets = [2, 0], sizes = [1, 1024], strides = [1, 1]} : vector<32x1024xi32> to vector<1x1024xi32>
    %lt3A_237 = vector.broadcast %slice3A_236 : vector<1x1024xi32> to vector<32x1024xi32>
    %lt3A_238 = arith.cmpi slt, %lt3A_237, %get3A_224 : vector<32x1024xi32>
    %convert_element_type3A_239 = arith.extui %lt3A_238 : vector<32x1024xi1> to vector<32x1024xi32>
    %add3A_240 = arith.addi %add3A_235, %convert_element_type3A_239 : vector<32x1024xi32>
    %slice3A_241 = vector.extract_strided_slice %get3A_224 {offsets = [3, 0], sizes = [1, 1024], strides = [1, 1]} : vector<32x1024xi32> to vector<1x1024xi32>
    %lt3A_242 = vector.broadcast %slice3A_241 : vector<1x1024xi32> to vector<32x1024xi32>
    %lt3A_243 = arith.cmpi slt, %lt3A_242, %get3A_224 : vector<32x1024xi32>
    %convert_element_type3A_244 = arith.extui %lt3A_243 : vector<32x1024xi1> to vector<32x1024xi32>
    %add3A_245 = arith.addi %add3A_240, %convert_element_type3A_244 : vector<32x1024xi32>
    %slice3A_246 = vector.extract_strided_slice %get3A_224 {offsets = [4, 0], sizes = [1, 1024], strides = [1, 1]} : vector<32x1024xi32> to vector<1x1024xi32>
    %lt3A_247 = vector.broadcast %slice3A_246 : vector<1x1024xi32> to vector<32x1024xi32>
    %lt3A_248 = arith.cmpi slt, %lt3A_247, %get3A_224 : vector<32x1024xi32>
    %convert_element_type3A_249 = arith.extui %lt3A_248 : vector<32x1024xi1> to vector<32x1024xi32>
    %add3A_250 = arith.addi %add3A_245, %convert_element_type3A_249 : vector<32x1024xi32>
    %slice3A_251 = vector.extract_strided_slice %get3A_224 {offsets = [5, 0], sizes = [1, 1024], strides = [1, 1]} : vector<32x1024xi32> to vector<1x1024xi32>
    %lt3A_252 = vector.broadcast %slice3A_251 : vector<1x1024xi32> to vector<32x1024xi32>
    %lt3A_253 = arith.cmpi slt, %lt3A_252, %get3A_224 : vector<32x1024xi32>
    %convert_element_type3A_254 = arith.extui %lt3A_253 : vector<32x1024xi1> to vector<32x1024xi32>
    %add3A_255 = arith.addi %add3A_250, %convert_element_type3A_254 : vector<32x1024xi32>
    %slice3A_256 = vector.extract_strided_slice %get3A_224 {offsets = [6, 0], sizes = [1, 1024], strides = [1, 1]} : vector<32x1024xi32> to vector<1x1024xi32>
    %lt3A_257 = vector.broadcast %slice3A_256 : vector<1x1024xi32> to vector<32x1024xi32>
    %lt3A_258 = arith.cmpi slt, %lt3A_257, %get3A_224 : vector<32x1024xi32>
    %convert_element_type3A_259 = arith.extui %lt3A_258 : vector<32x1024xi1> to vector<32x1024xi32>
    %add3A_260 = arith.addi %add3A_255, %convert_element_type3A_259 : vector<32x1024xi32>
    %slice3A_261 = vector.extract_strided_slice %get3A_224 {offsets = [7, 0], sizes = [1, 1024], strides = [1, 1]} : vector<32x1024xi32> to vector<1x1024xi32>
    %lt3A_262 = vector.broadcast %slice3A_261 : vector<1x1024xi32> to vector<32x1024xi32>
    %lt3A_263 = arith.cmpi slt, %lt3A_262, %get3A_224 : vector<32x1024xi32>
    %convert_element_type3A_264 = arith.extui %lt3A_263 : vector<32x1024xi1> to vector<32x1024xi32>
    %add3A_265 = arith.addi %add3A_260, %convert_element_type3A_264 : vector<32x1024xi32>
    %slice3A_266 = vector.extract_strided_slice %get3A_224 {offsets = [8, 0], sizes = [1, 1024], strides = [1, 1]} : vector<32x1024xi32> to vector<1x1024xi32>
    %lt3A_267 = vector.broadcast %slice3A_266 : vector<1x1024xi32> to vector<32x1024xi32>
    %lt3A_268 = arith.cmpi slt, %lt3A_267, %get3A_224 : vector<32x1024xi32>
    %convert_element_type3A_269 = arith.extui %lt3A_268 : vector<32x1024xi1> to vector<32x1024xi32>
    %add3A_270 = arith.addi %add3A_265, %convert_element_type3A_269 : vector<32x1024xi32>
    %slice3A_271 = vector.extract_strided_slice %get3A_224 {offsets = [9, 0], sizes = [1, 1024], strides = [1, 1]} : vector<32x1024xi32> to vector<1x1024xi32>
    %lt3A_272 = vector.broadcast %slice3A_271 : vector<1x1024xi32> to vector<32x1024xi32>
    %lt3A_273 = arith.cmpi slt, %lt3A_272, %get3A_224 : vector<32x1024xi32>
    %convert_element_type3A_274 = arith.extui %lt3A_273 : vector<32x1024xi1> to vector<32x1024xi32>
    %add3A_275 = arith.addi %add3A_270, %convert_element_type3A_274 : vector<32x1024xi32>
    %slice3A_276 = vector.extract_strided_slice %get3A_224 {offsets = [10, 0], sizes = [1, 1024], strides = [1, 1]} : vector<32x1024xi32> to vector<1x1024xi32>
    %lt3A_277 = vector.broadcast %slice3A_276 : vector<1x1024xi32> to vector<32x1024xi32>
    %lt3A_278 = arith.cmpi slt, %lt3A_277, %get3A_224 : vector<32x1024xi32>
    %convert_element_type3A_279 = arith.extui %lt3A_278 : vector<32x1024xi1> to vector<32x1024xi32>
    %add3A_280 = arith.addi %add3A_275, %convert_element_type3A_279 : vector<32x1024xi32>
    %slice3A_281 = vector.extract_strided_slice %get3A_224 {offsets = [11, 0], sizes = [1, 1024], strides = [1, 1]} : vector<32x1024xi32> to vector<1x1024xi32>
    %lt3A_282 = vector.broadcast %slice3A_281 : vector<1x1024xi32> to vector<32x1024xi32>
    %lt3A_283 = arith.cmpi slt, %lt3A_282, %get3A_224 : vector<32x1024xi32>
    %convert_element_type3A_284 = arith.extui %lt3A_283 : vector<32x1024xi1> to vector<32x1024xi32>
    %add3A_285 = arith.addi %add3A_280, %convert_element_type3A_284 : vector<32x1024xi32>
    %slice3A_286 = vector.extract_strided_slice %get3A_224 {offsets = [12, 0], sizes = [1, 1024], strides = [1, 1]} : vector<32x1024xi32> to vector<1x1024xi32>
    %lt3A_287 = vector.broadcast %slice3A_286 : vector<1x1024xi32> to vector<32x1024xi32>
    %lt3A_288 = arith.cmpi slt, %lt3A_287, %get3A_224 : vector<32x1024xi32>
    %convert_element_type3A_289 = arith.extui %lt3A_288 : vector<32x1024xi1> to vector<32x1024xi32>
    %add3A_290 = arith.addi %add3A_285, %convert_element_type3A_289 : vector<32x1024xi32>
    %slice3A_291 = vector.extract_strided_slice %get3A_224 {offsets = [13, 0], sizes = [1, 1024], strides = [1, 1]} : vector<32x1024xi32> to vector<1x1024xi32>
    %lt3A_292 = vector.broadcast %slice3A_291 : vector<1x1024xi32> to vector<32x1024xi32>
    %lt3A_293 = arith.cmpi slt, %lt3A_292, %get3A_224 : vector<32x1024xi32>
    %convert_element_type3A_294 = arith.extui %lt3A_293 : vector<32x1024xi1> to vector<32x1024xi32>
    %add3A_295 = arith.addi %add3A_290, %convert_element_type3A_294 : vector<32x1024xi32>
    %slice3A_296 = vector.extract_strided_slice %get3A_224 {offsets = [14, 0], sizes = [1, 1024], strides = [1, 1]} : vector<32x1024xi32> to vector<1x1024xi32>
    %lt3A_297 = vector.broadcast %slice3A_296 : vector<1x1024xi32> to vector<32x1024xi32>
    %lt3A_298 = arith.cmpi slt, %lt3A_297, %get3A_224 : vector<32x1024xi32>
    %convert_element_type3A_299 = arith.extui %lt3A_298 : vector<32x1024xi1> to vector<32x1024xi32>
    %add3A_300 = arith.addi %add3A_295, %convert_element_type3A_299 : vector<32x1024xi32>
    %slice3A_301 = vector.extract_strided_slice %get3A_224 {offsets = [15, 0], sizes = [1, 1024], strides = [1, 1]} : vector<32x1024xi32> to vector<1x1024xi32>
    %lt3A_302 = vector.broadcast %slice3A_301 : vector<1x1024xi32> to vector<32x1024xi32>
    %lt3A_303 = arith.cmpi slt, %lt3A_302, %get3A_224 : vector<32x1024xi32>
    %convert_element_type3A_304 = arith.extui %lt3A_303 : vector<32x1024xi1> to vector<32x1024xi32>
    %add3A_305 = arith.addi %add3A_300, %convert_element_type3A_304 : vector<32x1024xi32>
    %slice3A_306 = vector.extract_strided_slice %get3A_224 {offsets = [16, 0], sizes = [1, 1024], strides = [1, 1]} : vector<32x1024xi32> to vector<1x1024xi32>
    %lt3A_307 = vector.broadcast %slice3A_306 : vector<1x1024xi32> to vector<32x1024xi32>
    %lt3A_308 = arith.cmpi slt, %lt3A_307, %get3A_224 : vector<32x1024xi32>
    %convert_element_type3A_309 = arith.extui %lt3A_308 : vector<32x1024xi1> to vector<32x1024xi32>
    %add3A_310 = arith.addi %add3A_305, %convert_element_type3A_309 : vector<32x1024xi32>
    %slice3A_311 = vector.extract_strided_slice %get3A_224 {offsets = [17, 0], sizes = [1, 1024], strides = [1, 1]} : vector<32x1024xi32> to vector<1x1024xi32>
    %lt3A_312 = vector.broadcast %slice3A_311 : vector<1x1024xi32> to vector<32x1024xi32>
    %lt3A_313 = arith.cmpi slt, %lt3A_312, %get3A_224 : vector<32x1024xi32>
    %convert_element_type3A_314 = arith.extui %lt3A_313 : vector<32x1024xi1> to vector<32x1024xi32>
    %add3A_315 = arith.addi %add3A_310, %convert_element_type3A_314 : vector<32x1024xi32>
    %slice3A_316 = vector.extract_strided_slice %get3A_224 {offsets = [18, 0], sizes = [1, 1024], strides = [1, 1]} : vector<32x1024xi32> to vector<1x1024xi32>
    %lt3A_317 = vector.broadcast %slice3A_316 : vector<1x1024xi32> to vector<32x1024xi32>
    %lt3A_318 = arith.cmpi slt, %lt3A_317, %get3A_224 : vector<32x1024xi32>
    %convert_element_type3A_319 = arith.extui %lt3A_318 : vector<32x1024xi1> to vector<32x1024xi32>
    %add3A_320 = arith.addi %add3A_315, %convert_element_type3A_319 : vector<32x1024xi32>
    %slice3A_321 = vector.extract_strided_slice %get3A_224 {offsets = [19, 0], sizes = [1, 1024], strides = [1, 1]} : vector<32x1024xi32> to vector<1x1024xi32>
    %lt3A_322 = vector.broadcast %slice3A_321 : vector<1x1024xi32> to vector<32x1024xi32>
    %lt3A_323 = arith.cmpi slt, %lt3A_322, %get3A_224 : vector<32x1024xi32>
    %convert_element_type3A_324 = arith.extui %lt3A_323 : vector<32x1024xi1> to vector<32x1024xi32>
    %add3A_325 = arith.addi %add3A_320, %convert_element_type3A_324 : vector<32x1024xi32>
    %slice3A_326 = vector.extract_strided_slice %get3A_224 {offsets = [20, 0], sizes = [1, 1024], strides = [1, 1]} : vector<32x1024xi32> to vector<1x1024xi32>
    %lt3A_327 = vector.broadcast %slice3A_326 : vector<1x1024xi32> to vector<32x1024xi32>
    %lt3A_328 = arith.cmpi slt, %lt3A_327, %get3A_224 : vector<32x1024xi32>
    %convert_element_type3A_329 = arith.extui %lt3A_328 : vector<32x1024xi1> to vector<32x1024xi32>
    %add3A_330 = arith.addi %add3A_325, %convert_element_type3A_329 : vector<32x1024xi32>
    %slice3A_331 = vector.extract_strided_slice %get3A_224 {offsets = [21, 0], sizes = [1, 1024], strides = [1, 1]} : vector<32x1024xi32> to vector<1x1024xi32>
    %lt3A_332 = vector.broadcast %slice3A_331 : vector<1x1024xi32> to vector<32x1024xi32>
    %lt3A_333 = arith.cmpi slt, %lt3A_332, %get3A_224 : vector<32x1024xi32>
    %convert_element_type3A_334 = arith.extui %lt3A_333 : vector<32x1024xi1> to vector<32x1024xi32>
    %add3A_335 = arith.addi %add3A_330, %convert_element_type3A_334 : vector<32x1024xi32>
    %slice3A_336 = vector.extract_strided_slice %get3A_224 {offsets = [22, 0], sizes = [1, 1024], strides = [1, 1]} : vector<32x1024xi32> to vector<1x1024xi32>
    %lt3A_337 = vector.broadcast %slice3A_336 : vector<1x1024xi32> to vector<32x1024xi32>
    %lt3A_338 = arith.cmpi slt, %lt3A_337, %get3A_224 : vector<32x1024xi32>
    %convert_element_type3A_339 = arith.extui %lt3A_338 : vector<32x1024xi1> to vector<32x1024xi32>
    %add3A_340 = arith.addi %add3A_335, %convert_element_type3A_339 : vector<32x1024xi32>
    %slice3A_341 = vector.extract_strided_slice %get3A_224 {offsets = [23, 0], sizes = [1, 1024], strides = [1, 1]} : vector<32x1024xi32> to vector<1x1024xi32>
    %lt3A_342 = vector.broadcast %slice3A_341 : vector<1x1024xi32> to vector<32x1024xi32>
    %lt3A_343 = arith.cmpi slt, %lt3A_342, %get3A_224 : vector<32x1024xi32>
    %convert_element_type3A_344 = arith.extui %lt3A_343 : vector<32x1024xi1> to vector<32x1024xi32>
    %add3A_345 = arith.addi %add3A_340, %convert_element_type3A_344 : vector<32x1024xi32>
    %slice3A_346 = vector.extract_strided_slice %get3A_224 {offsets = [24, 0], sizes = [1, 1024], strides = [1, 1]} : vector<32x1024xi32> to vector<1x1024xi32>
    %lt3A_347 = vector.broadcast %slice3A_346 : vector<1x1024xi32> to vector<32x1024xi32>
    %lt3A_348 = arith.cmpi slt, %lt3A_347, %get3A_224 : vector<32x1024xi32>
    %convert_element_type3A_349 = arith.extui %lt3A_348 : vector<32x1024xi1> to vector<32x1024xi32>
    %add3A_350 = arith.addi %add3A_345, %convert_element_type3A_349 : vector<32x1024xi32>
    %slice3A_351 = vector.extract_strided_slice %get3A_224 {offsets = [25, 0], sizes = [1, 1024], strides = [1, 1]} : vector<32x1024xi32> to vector<1x1024xi32>
    %lt3A_352 = vector.broadcast %slice3A_351 : vector<1x1024xi32> to vector<32x1024xi32>
    %lt3A_353 = arith.cmpi slt, %lt3A_352, %get3A_224 : vector<32x1024xi32>
    %convert_element_type3A_354 = arith.extui %lt3A_353 : vector<32x1024xi1> to vector<32x1024xi32>
    %add3A_355 = arith.addi %add3A_350, %convert_element_type3A_354 : vector<32x1024xi32>
    %slice3A_356 = vector.extract_strided_slice %get3A_224 {offsets = [26, 0], sizes = [1, 1024], strides = [1, 1]} : vector<32x1024xi32> to vector<1x1024xi32>
    %lt3A_357 = vector.broadcast %slice3A_356 : vector<1x1024xi32> to vector<32x1024xi32>
    %lt3A_358 = arith.cmpi slt, %lt3A_357, %get3A_224 : vector<32x1024xi32>
    %convert_element_type3A_359 = arith.extui %lt3A_358 : vector<32x1024xi1> to vector<32x1024xi32>
    %add3A_360 = arith.addi %add3A_355, %convert_element_type3A_359 : vector<32x1024xi32>
    %slice3A_361 = vector.extract_strided_slice %get3A_224 {offsets = [27, 0], sizes = [1, 1024], strides = [1, 1]} : vector<32x1024xi32> to vector<1x1024xi32>
    %lt3A_362 = vector.broadcast %slice3A_361 : vector<1x1024xi32> to vector<32x1024xi32>
    %lt3A_363 = arith.cmpi slt, %lt3A_362, %get3A_224 : vector<32x1024xi32>
    %convert_element_type3A_364 = arith.extui %lt3A_363 : vector<32x1024xi1> to vector<32x1024xi32>
    %add3A_365 = arith.addi %add3A_360, %convert_element_type3A_364 : vector<32x1024xi32>
    %slice3A_366 = vector.extract_strided_slice %get3A_224 {offsets = [28, 0], sizes = [1, 1024], strides = [1, 1]} : vector<32x1024xi32> to vector<1x1024xi32>
    %lt3A_367 = vector.broadcast %slice3A_366 : vector<1x1024xi32> to vector<32x1024xi32>
    %lt3A_368 = arith.cmpi slt, %lt3A_367, %get3A_224 : vector<32x1024xi32>
    %convert_element_type3A_369 = arith.extui %lt3A_368 : vector<32x1024xi1> to vector<32x1024xi32>
    %add3A_370 = arith.addi %add3A_365, %convert_element_type3A_369 : vector<32x1024xi32>
    %slice3A_371 = vector.extract_strided_slice %get3A_224 {offsets = [29, 0], sizes = [1, 1024], strides = [1, 1]} : vector<32x1024xi32> to vector<1x1024xi32>
    %lt3A_372 = vector.broadcast %slice3A_371 : vector<1x1024xi32> to vector<32x1024xi32>
    %lt3A_373 = arith.cmpi slt, %lt3A_372, %get3A_224 : vector<32x1024xi32>
    %convert_element_type3A_374 = arith.extui %lt3A_373 : vector<32x1024xi1> to vector<32x1024xi32>
    %add3A_375 = arith.addi %add3A_370, %convert_element_type3A_374 : vector<32x1024xi32>
    %slice3A_376 = vector.extract_strided_slice %get3A_224 {offsets = [30, 0], sizes = [1, 1024], strides = [1, 1]} : vector<32x1024xi32> to vector<1x1024xi32>
    %lt3A_377 = vector.broadcast %slice3A_376 : vector<1x1024xi32> to vector<32x1024xi32>
    %lt3A_378 = arith.cmpi slt, %lt3A_377, %get3A_224 : vector<32x1024xi32>
    %convert_element_type3A_379 = arith.extui %lt3A_378 : vector<32x1024xi1> to vector<32x1024xi32>
    %add3A_380 = arith.addi %add3A_375, %convert_element_type3A_379 : vector<32x1024xi32>
    %slice3A_381 = vector.extract_strided_slice %get3A_224 {offsets = [31, 0], sizes = [1, 1024], strides = [1, 1]} : vector<32x1024xi32> to vector<1x1024xi32>
    %lt3A_382 = vector.broadcast %slice3A_381 : vector<1x1024xi32> to vector<32x1024xi32>
    %lt3A_383 = arith.cmpi slt, %lt3A_382, %get3A_224 : vector<32x1024xi32>
    %convert_element_type3A_384 = arith.extui %lt3A_383 : vector<32x1024xi1> to vector<32x1024xi32>
    %add3A_385 = arith.addi %add3A_380, %convert_element_type3A_384 : vector<32x1024xi32>
    %iota3A = tpu.iota {dimensions = array<i32: 0>} : vector<32x1024xi32>
    %broadcast_in_dim3A_386 = arith.constant 0.000000e+00 : f32
    %broadcast_in_dim3A_387 = vector.broadcast %broadcast_in_dim3A_386 : f32 to vector<32x1024xf32>
    %slice3A_388 = vector.extract_strided_slice %add3A_385 {offsets = [0, 0], sizes = [1, 1024], strides = [1, 1]} : vector<32x1024xi32> to vector<1x1024xi32>
    %eq3A = vector.broadcast %slice3A_388 : vector<1x1024xi32> to vector<32x1024xi32>
    %eq3A_389 = arith.cmpi eq, %eq3A, %iota3A : vector<32x1024xi32>
    %slice3A_390 = vector.extract_strided_slice %select_n3A_221 {offsets = [0, 0], sizes = [1, 1024], strides = [1, 1]} : vector<32x1024xf32> to vector<1x1024xf32>
    %jit3A_391 = arith.constant 0.000000e+00 : f32
    %broadcast_in_dim3A_392 = vector.shape_cast %slice3A_390 : vector<1x1024xf32> to vector<1x1024xf32>
    %broadcast_in_dim3A_393 = vector.broadcast %broadcast_in_dim3A_392 : vector<1x1024xf32> to vector<32x1024xf32>
    %broadcast_in_dim3A_394 = vector.broadcast %jit3A_391 : f32 to vector<32x1024xf32>
    %select_n3A_395 = arith.select %eq3A_389, %broadcast_in_dim3A_393, %broadcast_in_dim3A_394 : vector<32x1024xi1>, vector<32x1024xf32>
    %add3A_396 = arith.addf %broadcast_in_dim3A_387, %select_n3A_395 : vector<32x1024xf32>
    %slice3A_397 = vector.extract_strided_slice %add3A_385 {offsets = [1, 0], sizes = [1, 1024], strides = [1, 1]} : vector<32x1024xi32> to vector<1x1024xi32>
    %eq3A_398 = vector.broadcast %slice3A_397 : vector<1x1024xi32> to vector<32x1024xi32>
    %eq3A_399 = arith.cmpi eq, %eq3A_398, %iota3A : vector<32x1024xi32>
    %slice3A_400 = vector.extract_strided_slice %select_n3A_221 {offsets = [1, 0], sizes = [1, 1024], strides = [1, 1]} : vector<32x1024xf32> to vector<1x1024xf32>
    %jit3A_401 = arith.constant 0.000000e+00 : f32
    %broadcast_in_dim3A_402 = vector.shape_cast %slice3A_400 : vector<1x1024xf32> to vector<1x1024xf32>
    %broadcast_in_dim3A_403 = vector.broadcast %broadcast_in_dim3A_402 : vector<1x1024xf32> to vector<32x1024xf32>
    %broadcast_in_dim3A_404 = vector.broadcast %jit3A_401 : f32 to vector<32x1024xf32>
    %select_n3A_405 = arith.select %eq3A_399, %broadcast_in_dim3A_403, %broadcast_in_dim3A_404 : vector<32x1024xi1>, vector<32x1024xf32>
    %add3A_406 = arith.addf %add3A_396, %select_n3A_405 : vector<32x1024xf32>
    %slice3A_407 = vector.extract_strided_slice %add3A_385 {offsets = [2, 0], sizes = [1, 1024], strides = [1, 1]} : vector<32x1024xi32> to vector<1x1024xi32>
    %eq3A_408 = vector.broadcast %slice3A_407 : vector<1x1024xi32> to vector<32x1024xi32>
    %eq3A_409 = arith.cmpi eq, %eq3A_408, %iota3A : vector<32x1024xi32>
    %slice3A_410 = vector.extract_strided_slice %select_n3A_221 {offsets = [2, 0], sizes = [1, 1024], strides = [1, 1]} : vector<32x1024xf32> to vector<1x1024xf32>
    %jit3A_411 = arith.constant 0.000000e+00 : f32
    %broadcast_in_dim3A_412 = vector.shape_cast %slice3A_410 : vector<1x1024xf32> to vector<1x1024xf32>
    %broadcast_in_dim3A_413 = vector.broadcast %broadcast_in_dim3A_412 : vector<1x1024xf32> to vector<32x1024xf32>
    %broadcast_in_dim3A_414 = vector.broadcast %jit3A_411 : f32 to vector<32x1024xf32>
    %select_n3A_415 = arith.select %eq3A_409, %broadcast_in_dim3A_413, %broadcast_in_dim3A_414 : vector<32x1024xi1>, vector<32x1024xf32>
    %add3A_416 = arith.addf %add3A_406, %select_n3A_415 : vector<32x1024xf32>
    %slice3A_417 = vector.extract_strided_slice %add3A_385 {offsets = [3, 0], sizes = [1, 1024], strides = [1, 1]} : vector<32x1024xi32> to vector<1x1024xi32>
    %eq3A_418 = vector.broadcast %slice3A_417 : vector<1x1024xi32> to vector<32x1024xi32>
    %eq3A_419 = arith.cmpi eq, %eq3A_418, %iota3A : vector<32x1024xi32>
    %slice3A_420 = vector.extract_strided_slice %select_n3A_221 {offsets = [3, 0], sizes = [1, 1024], strides = [1, 1]} : vector<32x1024xf32> to vector<1x1024xf32>
    %jit3A_421 = arith.constant 0.000000e+00 : f32
    %broadcast_in_dim3A_422 = vector.shape_cast %slice3A_420 : vector<1x1024xf32> to vector<1x1024xf32>
    %broadcast_in_dim3A_423 = vector.broadcast %broadcast_in_dim3A_422 : vector<1x1024xf32> to vector<32x1024xf32>
    %broadcast_in_dim3A_424 = vector.broadcast %jit3A_421 : f32 to vector<32x1024xf32>
    %select_n3A_425 = arith.select %eq3A_419, %broadcast_in_dim3A_423, %broadcast_in_dim3A_424 : vector<32x1024xi1>, vector<32x1024xf32>
    %add3A_426 = arith.addf %add3A_416, %select_n3A_425 : vector<32x1024xf32>
    %slice3A_427 = vector.extract_strided_slice %add3A_385 {offsets = [4, 0], sizes = [1, 1024], strides = [1, 1]} : vector<32x1024xi32> to vector<1x1024xi32>
    %eq3A_428 = vector.broadcast %slice3A_427 : vector<1x1024xi32> to vector<32x1024xi32>
    %eq3A_429 = arith.cmpi eq, %eq3A_428, %iota3A : vector<32x1024xi32>
    %slice3A_430 = vector.extract_strided_slice %select_n3A_221 {offsets = [4, 0], sizes = [1, 1024], strides = [1, 1]} : vector<32x1024xf32> to vector<1x1024xf32>
    %jit3A_431 = arith.constant 0.000000e+00 : f32
    %broadcast_in_dim3A_432 = vector.shape_cast %slice3A_430 : vector<1x1024xf32> to vector<1x1024xf32>
    %broadcast_in_dim3A_433 = vector.broadcast %broadcast_in_dim3A_432 : vector<1x1024xf32> to vector<32x1024xf32>
    %broadcast_in_dim3A_434 = vector.broadcast %jit3A_431 : f32 to vector<32x1024xf32>
    %select_n3A_435 = arith.select %eq3A_429, %broadcast_in_dim3A_433, %broadcast_in_dim3A_434 : vector<32x1024xi1>, vector<32x1024xf32>
    %add3A_436 = arith.addf %add3A_426, %select_n3A_435 : vector<32x1024xf32>
    %slice3A_437 = vector.extract_strided_slice %add3A_385 {offsets = [5, 0], sizes = [1, 1024], strides = [1, 1]} : vector<32x1024xi32> to vector<1x1024xi32>
    %eq3A_438 = vector.broadcast %slice3A_437 : vector<1x1024xi32> to vector<32x1024xi32>
    %eq3A_439 = arith.cmpi eq, %eq3A_438, %iota3A : vector<32x1024xi32>
    %slice3A_440 = vector.extract_strided_slice %select_n3A_221 {offsets = [5, 0], sizes = [1, 1024], strides = [1, 1]} : vector<32x1024xf32> to vector<1x1024xf32>
    %jit3A_441 = arith.constant 0.000000e+00 : f32
    %broadcast_in_dim3A_442 = vector.shape_cast %slice3A_440 : vector<1x1024xf32> to vector<1x1024xf32>
    %broadcast_in_dim3A_443 = vector.broadcast %broadcast_in_dim3A_442 : vector<1x1024xf32> to vector<32x1024xf32>
    %broadcast_in_dim3A_444 = vector.broadcast %jit3A_441 : f32 to vector<32x1024xf32>
    %select_n3A_445 = arith.select %eq3A_439, %broadcast_in_dim3A_443, %broadcast_in_dim3A_444 : vector<32x1024xi1>, vector<32x1024xf32>
    %add3A_446 = arith.addf %add3A_436, %select_n3A_445 : vector<32x1024xf32>
    %slice3A_447 = vector.extract_strided_slice %add3A_385 {offsets = [6, 0], sizes = [1, 1024], strides = [1, 1]} : vector<32x1024xi32> to vector<1x1024xi32>
    %eq3A_448 = vector.broadcast %slice3A_447 : vector<1x1024xi32> to vector<32x1024xi32>
    %eq3A_449 = arith.cmpi eq, %eq3A_448, %iota3A : vector<32x1024xi32>
    %slice3A_450 = vector.extract_strided_slice %select_n3A_221 {offsets = [6, 0], sizes = [1, 1024], strides = [1, 1]} : vector<32x1024xf32> to vector<1x1024xf32>
    %jit3A_451 = arith.constant 0.000000e+00 : f32
    %broadcast_in_dim3A_452 = vector.shape_cast %slice3A_450 : vector<1x1024xf32> to vector<1x1024xf32>
    %broadcast_in_dim3A_453 = vector.broadcast %broadcast_in_dim3A_452 : vector<1x1024xf32> to vector<32x1024xf32>
    %broadcast_in_dim3A_454 = vector.broadcast %jit3A_451 : f32 to vector<32x1024xf32>
    %select_n3A_455 = arith.select %eq3A_449, %broadcast_in_dim3A_453, %broadcast_in_dim3A_454 : vector<32x1024xi1>, vector<32x1024xf32>
    %add3A_456 = arith.addf %add3A_446, %select_n3A_455 : vector<32x1024xf32>
    %slice3A_457 = vector.extract_strided_slice %add3A_385 {offsets = [7, 0], sizes = [1, 1024], strides = [1, 1]} : vector<32x1024xi32> to vector<1x1024xi32>
    %eq3A_458 = vector.broadcast %slice3A_457 : vector<1x1024xi32> to vector<32x1024xi32>
    %eq3A_459 = arith.cmpi eq, %eq3A_458, %iota3A : vector<32x1024xi32>
    %slice3A_460 = vector.extract_strided_slice %select_n3A_221 {offsets = [7, 0], sizes = [1, 1024], strides = [1, 1]} : vector<32x1024xf32> to vector<1x1024xf32>
    %jit3A_461 = arith.constant 0.000000e+00 : f32
    %broadcast_in_dim3A_462 = vector.shape_cast %slice3A_460 : vector<1x1024xf32> to vector<1x1024xf32>
    %broadcast_in_dim3A_463 = vector.broadcast %broadcast_in_dim3A_462 : vector<1x1024xf32> to vector<32x1024xf32>
    %broadcast_in_dim3A_464 = vector.broadcast %jit3A_461 : f32 to vector<32x1024xf32>
    %select_n3A_465 = arith.select %eq3A_459, %broadcast_in_dim3A_463, %broadcast_in_dim3A_464 : vector<32x1024xi1>, vector<32x1024xf32>
    %add3A_466 = arith.addf %add3A_456, %select_n3A_465 : vector<32x1024xf32>
    %slice3A_467 = vector.extract_strided_slice %add3A_385 {offsets = [8, 0], sizes = [1, 1024], strides = [1, 1]} : vector<32x1024xi32> to vector<1x1024xi32>
    %eq3A_468 = vector.broadcast %slice3A_467 : vector<1x1024xi32> to vector<32x1024xi32>
    %eq3A_469 = arith.cmpi eq, %eq3A_468, %iota3A : vector<32x1024xi32>
    %slice3A_470 = vector.extract_strided_slice %select_n3A_221 {offsets = [8, 0], sizes = [1, 1024], strides = [1, 1]} : vector<32x1024xf32> to vector<1x1024xf32>
    %jit3A_471 = arith.constant 0.000000e+00 : f32
    %broadcast_in_dim3A_472 = vector.shape_cast %slice3A_470 : vector<1x1024xf32> to vector<1x1024xf32>
    %broadcast_in_dim3A_473 = vector.broadcast %broadcast_in_dim3A_472 : vector<1x1024xf32> to vector<32x1024xf32>
    %broadcast_in_dim3A_474 = vector.broadcast %jit3A_471 : f32 to vector<32x1024xf32>
    %select_n3A_475 = arith.select %eq3A_469, %broadcast_in_dim3A_473, %broadcast_in_dim3A_474 : vector<32x1024xi1>, vector<32x1024xf32>
    %add3A_476 = arith.addf %add3A_466, %select_n3A_475 : vector<32x1024xf32>
    %slice3A_477 = vector.extract_strided_slice %add3A_385 {offsets = [9, 0], sizes = [1, 1024], strides = [1, 1]} : vector<32x1024xi32> to vector<1x1024xi32>
    %eq3A_478 = vector.broadcast %slice3A_477 : vector<1x1024xi32> to vector<32x1024xi32>
    %eq3A_479 = arith.cmpi eq, %eq3A_478, %iota3A : vector<32x1024xi32>
    %slice3A_480 = vector.extract_strided_slice %select_n3A_221 {offsets = [9, 0], sizes = [1, 1024], strides = [1, 1]} : vector<32x1024xf32> to vector<1x1024xf32>
    %jit3A_481 = arith.constant 0.000000e+00 : f32
    %broadcast_in_dim3A_482 = vector.shape_cast %slice3A_480 : vector<1x1024xf32> to vector<1x1024xf32>
    %broadcast_in_dim3A_483 = vector.broadcast %broadcast_in_dim3A_482 : vector<1x1024xf32> to vector<32x1024xf32>
    %broadcast_in_dim3A_484 = vector.broadcast %jit3A_481 : f32 to vector<32x1024xf32>
    %select_n3A_485 = arith.select %eq3A_479, %broadcast_in_dim3A_483, %broadcast_in_dim3A_484 : vector<32x1024xi1>, vector<32x1024xf32>
    %add3A_486 = arith.addf %add3A_476, %select_n3A_485 : vector<32x1024xf32>
    %slice3A_487 = vector.extract_strided_slice %add3A_385 {offsets = [10, 0], sizes = [1, 1024], strides = [1, 1]} : vector<32x1024xi32> to vector<1x1024xi32>
    %eq3A_488 = vector.broadcast %slice3A_487 : vector<1x1024xi32> to vector<32x1024xi32>
    %eq3A_489 = arith.cmpi eq, %eq3A_488, %iota3A : vector<32x1024xi32>
    %slice3A_490 = vector.extract_strided_slice %select_n3A_221 {offsets = [10, 0], sizes = [1, 1024], strides = [1, 1]} : vector<32x1024xf32> to vector<1x1024xf32>
    %jit3A_491 = arith.constant 0.000000e+00 : f32
    %broadcast_in_dim3A_492 = vector.shape_cast %slice3A_490 : vector<1x1024xf32> to vector<1x1024xf32>
    %broadcast_in_dim3A_493 = vector.broadcast %broadcast_in_dim3A_492 : vector<1x1024xf32> to vector<32x1024xf32>
    %broadcast_in_dim3A_494 = vector.broadcast %jit3A_491 : f32 to vector<32x1024xf32>
    %select_n3A_495 = arith.select %eq3A_489, %broadcast_in_dim3A_493, %broadcast_in_dim3A_494 : vector<32x1024xi1>, vector<32x1024xf32>
    %add3A_496 = arith.addf %add3A_486, %select_n3A_495 : vector<32x1024xf32>
    %slice3A_497 = vector.extract_strided_slice %add3A_385 {offsets = [11, 0], sizes = [1, 1024], strides = [1, 1]} : vector<32x1024xi32> to vector<1x1024xi32>
    %eq3A_498 = vector.broadcast %slice3A_497 : vector<1x1024xi32> to vector<32x1024xi32>
    %eq3A_499 = arith.cmpi eq, %eq3A_498, %iota3A : vector<32x1024xi32>
    %slice3A_500 = vector.extract_strided_slice %select_n3A_221 {offsets = [11, 0], sizes = [1, 1024], strides = [1, 1]} : vector<32x1024xf32> to vector<1x1024xf32>
    %jit3A_501 = arith.constant 0.000000e+00 : f32
    %broadcast_in_dim3A_502 = vector.shape_cast %slice3A_500 : vector<1x1024xf32> to vector<1x1024xf32>
    %broadcast_in_dim3A_503 = vector.broadcast %broadcast_in_dim3A_502 : vector<1x1024xf32> to vector<32x1024xf32>
    %broadcast_in_dim3A_504 = vector.broadcast %jit3A_501 : f32 to vector<32x1024xf32>
    %select_n3A_505 = arith.select %eq3A_499, %broadcast_in_dim3A_503, %broadcast_in_dim3A_504 : vector<32x1024xi1>, vector<32x1024xf32>
    %add3A_506 = arith.addf %add3A_496, %select_n3A_505 : vector<32x1024xf32>
    %slice3A_507 = vector.extract_strided_slice %add3A_385 {offsets = [12, 0], sizes = [1, 1024], strides = [1, 1]} : vector<32x1024xi32> to vector<1x1024xi32>
    %eq3A_508 = vector.broadcast %slice3A_507 : vector<1x1024xi32> to vector<32x1024xi32>
    %eq3A_509 = arith.cmpi eq, %eq3A_508, %iota3A : vector<32x1024xi32>
    %slice3A_510 = vector.extract_strided_slice %select_n3A_221 {offsets = [12, 0], sizes = [1, 1024], strides = [1, 1]} : vector<32x1024xf32> to vector<1x1024xf32>
    %jit3A_511 = arith.constant 0.000000e+00 : f32
    %broadcast_in_dim3A_512 = vector.shape_cast %slice3A_510 : vector<1x1024xf32> to vector<1x1024xf32>
    %broadcast_in_dim3A_513 = vector.broadcast %broadcast_in_dim3A_512 : vector<1x1024xf32> to vector<32x1024xf32>
    %broadcast_in_dim3A_514 = vector.broadcast %jit3A_511 : f32 to vector<32x1024xf32>
    %select_n3A_515 = arith.select %eq3A_509, %broadcast_in_dim3A_513, %broadcast_in_dim3A_514 : vector<32x1024xi1>, vector<32x1024xf32>
    %add3A_516 = arith.addf %add3A_506, %select_n3A_515 : vector<32x1024xf32>
    %slice3A_517 = vector.extract_strided_slice %add3A_385 {offsets = [13, 0], sizes = [1, 1024], strides = [1, 1]} : vector<32x1024xi32> to vector<1x1024xi32>
    %eq3A_518 = vector.broadcast %slice3A_517 : vector<1x1024xi32> to vector<32x1024xi32>
    %eq3A_519 = arith.cmpi eq, %eq3A_518, %iota3A : vector<32x1024xi32>
    %slice3A_520 = vector.extract_strided_slice %select_n3A_221 {offsets = [13, 0], sizes = [1, 1024], strides = [1, 1]} : vector<32x1024xf32> to vector<1x1024xf32>
    %jit3A_521 = arith.constant 0.000000e+00 : f32
    %broadcast_in_dim3A_522 = vector.shape_cast %slice3A_520 : vector<1x1024xf32> to vector<1x1024xf32>
    %broadcast_in_dim3A_523 = vector.broadcast %broadcast_in_dim3A_522 : vector<1x1024xf32> to vector<32x1024xf32>
    %broadcast_in_dim3A_524 = vector.broadcast %jit3A_521 : f32 to vector<32x1024xf32>
    %select_n3A_525 = arith.select %eq3A_519, %broadcast_in_dim3A_523, %broadcast_in_dim3A_524 : vector<32x1024xi1>, vector<32x1024xf32>
    %add3A_526 = arith.addf %add3A_516, %select_n3A_525 : vector<32x1024xf32>
    %slice3A_527 = vector.extract_strided_slice %add3A_385 {offsets = [14, 0], sizes = [1, 1024], strides = [1, 1]} : vector<32x1024xi32> to vector<1x1024xi32>
    %eq3A_528 = vector.broadcast %slice3A_527 : vector<1x1024xi32> to vector<32x1024xi32>
    %eq3A_529 = arith.cmpi eq, %eq3A_528, %iota3A : vector<32x1024xi32>
    %slice3A_530 = vector.extract_strided_slice %select_n3A_221 {offsets = [14, 0], sizes = [1, 1024], strides = [1, 1]} : vector<32x1024xf32> to vector<1x1024xf32>
    %jit3A_531 = arith.constant 0.000000e+00 : f32
    %broadcast_in_dim3A_532 = vector.shape_cast %slice3A_530 : vector<1x1024xf32> to vector<1x1024xf32>
    %broadcast_in_dim3A_533 = vector.broadcast %broadcast_in_dim3A_532 : vector<1x1024xf32> to vector<32x1024xf32>
    %broadcast_in_dim3A_534 = vector.broadcast %jit3A_531 : f32 to vector<32x1024xf32>
    %select_n3A_535 = arith.select %eq3A_529, %broadcast_in_dim3A_533, %broadcast_in_dim3A_534 : vector<32x1024xi1>, vector<32x1024xf32>
    %add3A_536 = arith.addf %add3A_526, %select_n3A_535 : vector<32x1024xf32>
    %slice3A_537 = vector.extract_strided_slice %add3A_385 {offsets = [15, 0], sizes = [1, 1024], strides = [1, 1]} : vector<32x1024xi32> to vector<1x1024xi32>
    %eq3A_538 = vector.broadcast %slice3A_537 : vector<1x1024xi32> to vector<32x1024xi32>
    %eq3A_539 = arith.cmpi eq, %eq3A_538, %iota3A : vector<32x1024xi32>
    %slice3A_540 = vector.extract_strided_slice %select_n3A_221 {offsets = [15, 0], sizes = [1, 1024], strides = [1, 1]} : vector<32x1024xf32> to vector<1x1024xf32>
    %jit3A_541 = arith.constant 0.000000e+00 : f32
    %broadcast_in_dim3A_542 = vector.shape_cast %slice3A_540 : vector<1x1024xf32> to vector<1x1024xf32>
    %broadcast_in_dim3A_543 = vector.broadcast %broadcast_in_dim3A_542 : vector<1x1024xf32> to vector<32x1024xf32>
    %broadcast_in_dim3A_544 = vector.broadcast %jit3A_541 : f32 to vector<32x1024xf32>
    %select_n3A_545 = arith.select %eq3A_539, %broadcast_in_dim3A_543, %broadcast_in_dim3A_544 : vector<32x1024xi1>, vector<32x1024xf32>
    %add3A_546 = arith.addf %add3A_536, %select_n3A_545 : vector<32x1024xf32>
    %slice3A_547 = vector.extract_strided_slice %add3A_385 {offsets = [16, 0], sizes = [1, 1024], strides = [1, 1]} : vector<32x1024xi32> to vector<1x1024xi32>
    %eq3A_548 = vector.broadcast %slice3A_547 : vector<1x1024xi32> to vector<32x1024xi32>
    %eq3A_549 = arith.cmpi eq, %eq3A_548, %iota3A : vector<32x1024xi32>
    %slice3A_550 = vector.extract_strided_slice %select_n3A_221 {offsets = [16, 0], sizes = [1, 1024], strides = [1, 1]} : vector<32x1024xf32> to vector<1x1024xf32>
    %jit3A_551 = arith.constant 0.000000e+00 : f32
    %broadcast_in_dim3A_552 = vector.shape_cast %slice3A_550 : vector<1x1024xf32> to vector<1x1024xf32>
    %broadcast_in_dim3A_553 = vector.broadcast %broadcast_in_dim3A_552 : vector<1x1024xf32> to vector<32x1024xf32>
    %broadcast_in_dim3A_554 = vector.broadcast %jit3A_551 : f32 to vector<32x1024xf32>
    %select_n3A_555 = arith.select %eq3A_549, %broadcast_in_dim3A_553, %broadcast_in_dim3A_554 : vector<32x1024xi1>, vector<32x1024xf32>
    %add3A_556 = arith.addf %add3A_546, %select_n3A_555 : vector<32x1024xf32>
    %slice3A_557 = vector.extract_strided_slice %add3A_385 {offsets = [17, 0], sizes = [1, 1024], strides = [1, 1]} : vector<32x1024xi32> to vector<1x1024xi32>
    %eq3A_558 = vector.broadcast %slice3A_557 : vector<1x1024xi32> to vector<32x1024xi32>
    %eq3A_559 = arith.cmpi eq, %eq3A_558, %iota3A : vector<32x1024xi32>
    %slice3A_560 = vector.extract_strided_slice %select_n3A_221 {offsets = [17, 0], sizes = [1, 1024], strides = [1, 1]} : vector<32x1024xf32> to vector<1x1024xf32>
    %jit3A_561 = arith.constant 0.000000e+00 : f32
    %broadcast_in_dim3A_562 = vector.shape_cast %slice3A_560 : vector<1x1024xf32> to vector<1x1024xf32>
    %broadcast_in_dim3A_563 = vector.broadcast %broadcast_in_dim3A_562 : vector<1x1024xf32> to vector<32x1024xf32>
    %broadcast_in_dim3A_564 = vector.broadcast %jit3A_561 : f32 to vector<32x1024xf32>
    %select_n3A_565 = arith.select %eq3A_559, %broadcast_in_dim3A_563, %broadcast_in_dim3A_564 : vector<32x1024xi1>, vector<32x1024xf32>
    %add3A_566 = arith.addf %add3A_556, %select_n3A_565 : vector<32x1024xf32>
    %slice3A_567 = vector.extract_strided_slice %add3A_385 {offsets = [18, 0], sizes = [1, 1024], strides = [1, 1]} : vector<32x1024xi32> to vector<1x1024xi32>
    %eq3A_568 = vector.broadcast %slice3A_567 : vector<1x1024xi32> to vector<32x1024xi32>
    %eq3A_569 = arith.cmpi eq, %eq3A_568, %iota3A : vector<32x1024xi32>
    %slice3A_570 = vector.extract_strided_slice %select_n3A_221 {offsets = [18, 0], sizes = [1, 1024], strides = [1, 1]} : vector<32x1024xf32> to vector<1x1024xf32>
    %jit3A_571 = arith.constant 0.000000e+00 : f32
    %broadcast_in_dim3A_572 = vector.shape_cast %slice3A_570 : vector<1x1024xf32> to vector<1x1024xf32>
    %broadcast_in_dim3A_573 = vector.broadcast %broadcast_in_dim3A_572 : vector<1x1024xf32> to vector<32x1024xf32>
    %broadcast_in_dim3A_574 = vector.broadcast %jit3A_571 : f32 to vector<32x1024xf32>
    %select_n3A_575 = arith.select %eq3A_569, %broadcast_in_dim3A_573, %broadcast_in_dim3A_574 : vector<32x1024xi1>, vector<32x1024xf32>
    %add3A_576 = arith.addf %add3A_566, %select_n3A_575 : vector<32x1024xf32>
    %slice3A_577 = vector.extract_strided_slice %add3A_385 {offsets = [19, 0], sizes = [1, 1024], strides = [1, 1]} : vector<32x1024xi32> to vector<1x1024xi32>
    %eq3A_578 = vector.broadcast %slice3A_577 : vector<1x1024xi32> to vector<32x1024xi32>
    %eq3A_579 = arith.cmpi eq, %eq3A_578, %iota3A : vector<32x1024xi32>
    %slice3A_580 = vector.extract_strided_slice %select_n3A_221 {offsets = [19, 0], sizes = [1, 1024], strides = [1, 1]} : vector<32x1024xf32> to vector<1x1024xf32>
    %jit3A_581 = arith.constant 0.000000e+00 : f32
    %broadcast_in_dim3A_582 = vector.shape_cast %slice3A_580 : vector<1x1024xf32> to vector<1x1024xf32>
    %broadcast_in_dim3A_583 = vector.broadcast %broadcast_in_dim3A_582 : vector<1x1024xf32> to vector<32x1024xf32>
    %broadcast_in_dim3A_584 = vector.broadcast %jit3A_581 : f32 to vector<32x1024xf32>
    %select_n3A_585 = arith.select %eq3A_579, %broadcast_in_dim3A_583, %broadcast_in_dim3A_584 : vector<32x1024xi1>, vector<32x1024xf32>
    %add3A_586 = arith.addf %add3A_576, %select_n3A_585 : vector<32x1024xf32>
    %slice3A_587 = vector.extract_strided_slice %add3A_385 {offsets = [20, 0], sizes = [1, 1024], strides = [1, 1]} : vector<32x1024xi32> to vector<1x1024xi32>
    %eq3A_588 = vector.broadcast %slice3A_587 : vector<1x1024xi32> to vector<32x1024xi32>
    %eq3A_589 = arith.cmpi eq, %eq3A_588, %iota3A : vector<32x1024xi32>
    %slice3A_590 = vector.extract_strided_slice %select_n3A_221 {offsets = [20, 0], sizes = [1, 1024], strides = [1, 1]} : vector<32x1024xf32> to vector<1x1024xf32>
    %jit3A_591 = arith.constant 0.000000e+00 : f32
    %broadcast_in_dim3A_592 = vector.shape_cast %slice3A_590 : vector<1x1024xf32> to vector<1x1024xf32>
    %broadcast_in_dim3A_593 = vector.broadcast %broadcast_in_dim3A_592 : vector<1x1024xf32> to vector<32x1024xf32>
    %broadcast_in_dim3A_594 = vector.broadcast %jit3A_591 : f32 to vector<32x1024xf32>
    %select_n3A_595 = arith.select %eq3A_589, %broadcast_in_dim3A_593, %broadcast_in_dim3A_594 : vector<32x1024xi1>, vector<32x1024xf32>
    %add3A_596 = arith.addf %add3A_586, %select_n3A_595 : vector<32x1024xf32>
    %slice3A_597 = vector.extract_strided_slice %add3A_385 {offsets = [21, 0], sizes = [1, 1024], strides = [1, 1]} : vector<32x1024xi32> to vector<1x1024xi32>
    %eq3A_598 = vector.broadcast %slice3A_597 : vector<1x1024xi32> to vector<32x1024xi32>
    %eq3A_599 = arith.cmpi eq, %eq3A_598, %iota3A : vector<32x1024xi32>
    %slice3A_600 = vector.extract_strided_slice %select_n3A_221 {offsets = [21, 0], sizes = [1, 1024], strides = [1, 1]} : vector<32x1024xf32> to vector<1x1024xf32>
    %jit3A_601 = arith.constant 0.000000e+00 : f32
    %broadcast_in_dim3A_602 = vector.shape_cast %slice3A_600 : vector<1x1024xf32> to vector<1x1024xf32>
    %broadcast_in_dim3A_603 = vector.broadcast %broadcast_in_dim3A_602 : vector<1x1024xf32> to vector<32x1024xf32>
    %broadcast_in_dim3A_604 = vector.broadcast %jit3A_601 : f32 to vector<32x1024xf32>
    %select_n3A_605 = arith.select %eq3A_599, %broadcast_in_dim3A_603, %broadcast_in_dim3A_604 : vector<32x1024xi1>, vector<32x1024xf32>
    %add3A_606 = arith.addf %add3A_596, %select_n3A_605 : vector<32x1024xf32>
    %slice3A_607 = vector.extract_strided_slice %add3A_385 {offsets = [22, 0], sizes = [1, 1024], strides = [1, 1]} : vector<32x1024xi32> to vector<1x1024xi32>
    %eq3A_608 = vector.broadcast %slice3A_607 : vector<1x1024xi32> to vector<32x1024xi32>
    %eq3A_609 = arith.cmpi eq, %eq3A_608, %iota3A : vector<32x1024xi32>
    %slice3A_610 = vector.extract_strided_slice %select_n3A_221 {offsets = [22, 0], sizes = [1, 1024], strides = [1, 1]} : vector<32x1024xf32> to vector<1x1024xf32>
    %jit3A_611 = arith.constant 0.000000e+00 : f32
    %broadcast_in_dim3A_612 = vector.shape_cast %slice3A_610 : vector<1x1024xf32> to vector<1x1024xf32>
    %broadcast_in_dim3A_613 = vector.broadcast %broadcast_in_dim3A_612 : vector<1x1024xf32> to vector<32x1024xf32>
    %broadcast_in_dim3A_614 = vector.broadcast %jit3A_611 : f32 to vector<32x1024xf32>
    %select_n3A_615 = arith.select %eq3A_609, %broadcast_in_dim3A_613, %broadcast_in_dim3A_614 : vector<32x1024xi1>, vector<32x1024xf32>
    %add3A_616 = arith.addf %add3A_606, %select_n3A_615 : vector<32x1024xf32>
    %slice3A_617 = vector.extract_strided_slice %add3A_385 {offsets = [23, 0], sizes = [1, 1024], strides = [1, 1]} : vector<32x1024xi32> to vector<1x1024xi32>
    %eq3A_618 = vector.broadcast %slice3A_617 : vector<1x1024xi32> to vector<32x1024xi32>
    %eq3A_619 = arith.cmpi eq, %eq3A_618, %iota3A : vector<32x1024xi32>
    %slice3A_620 = vector.extract_strided_slice %select_n3A_221 {offsets = [23, 0], sizes = [1, 1024], strides = [1, 1]} : vector<32x1024xf32> to vector<1x1024xf32>
    %jit3A_621 = arith.constant 0.000000e+00 : f32
    %broadcast_in_dim3A_622 = vector.shape_cast %slice3A_620 : vector<1x1024xf32> to vector<1x1024xf32>
    %broadcast_in_dim3A_623 = vector.broadcast %broadcast_in_dim3A_622 : vector<1x1024xf32> to vector<32x1024xf32>
    %broadcast_in_dim3A_624 = vector.broadcast %jit3A_621 : f32 to vector<32x1024xf32>
    %select_n3A_625 = arith.select %eq3A_619, %broadcast_in_dim3A_623, %broadcast_in_dim3A_624 : vector<32x1024xi1>, vector<32x1024xf32>
    %add3A_626 = arith.addf %add3A_616, %select_n3A_625 : vector<32x1024xf32>
    %slice3A_627 = vector.extract_strided_slice %add3A_385 {offsets = [24, 0], sizes = [1, 1024], strides = [1, 1]} : vector<32x1024xi32> to vector<1x1024xi32>
    %eq3A_628 = vector.broadcast %slice3A_627 : vector<1x1024xi32> to vector<32x1024xi32>
    %eq3A_629 = arith.cmpi eq, %eq3A_628, %iota3A : vector<32x1024xi32>
    %slice3A_630 = vector.extract_strided_slice %select_n3A_221 {offsets = [24, 0], sizes = [1, 1024], strides = [1, 1]} : vector<32x1024xf32> to vector<1x1024xf32>
    %jit3A_631 = arith.constant 0.000000e+00 : f32
    %broadcast_in_dim3A_632 = vector.shape_cast %slice3A_630 : vector<1x1024xf32> to vector<1x1024xf32>
    %broadcast_in_dim3A_633 = vector.broadcast %broadcast_in_dim3A_632 : vector<1x1024xf32> to vector<32x1024xf32>
    %broadcast_in_dim3A_634 = vector.broadcast %jit3A_631 : f32 to vector<32x1024xf32>
    %select_n3A_635 = arith.select %eq3A_629, %broadcast_in_dim3A_633, %broadcast_in_dim3A_634 : vector<32x1024xi1>, vector<32x1024xf32>
    %add3A_636 = arith.addf %add3A_626, %select_n3A_635 : vector<32x1024xf32>
    %slice3A_637 = vector.extract_strided_slice %add3A_385 {offsets = [25, 0], sizes = [1, 1024], strides = [1, 1]} : vector<32x1024xi32> to vector<1x1024xi32>
    %eq3A_638 = vector.broadcast %slice3A_637 : vector<1x1024xi32> to vector<32x1024xi32>
    %eq3A_639 = arith.cmpi eq, %eq3A_638, %iota3A : vector<32x1024xi32>
    %slice3A_640 = vector.extract_strided_slice %select_n3A_221 {offsets = [25, 0], sizes = [1, 1024], strides = [1, 1]} : vector<32x1024xf32> to vector<1x1024xf32>
    %jit3A_641 = arith.constant 0.000000e+00 : f32
    %broadcast_in_dim3A_642 = vector.shape_cast %slice3A_640 : vector<1x1024xf32> to vector<1x1024xf32>
    %broadcast_in_dim3A_643 = vector.broadcast %broadcast_in_dim3A_642 : vector<1x1024xf32> to vector<32x1024xf32>
    %broadcast_in_dim3A_644 = vector.broadcast %jit3A_641 : f32 to vector<32x1024xf32>
    %select_n3A_645 = arith.select %eq3A_639, %broadcast_in_dim3A_643, %broadcast_in_dim3A_644 : vector<32x1024xi1>, vector<32x1024xf32>
    %add3A_646 = arith.addf %add3A_636, %select_n3A_645 : vector<32x1024xf32>
    %slice3A_647 = vector.extract_strided_slice %add3A_385 {offsets = [26, 0], sizes = [1, 1024], strides = [1, 1]} : vector<32x1024xi32> to vector<1x1024xi32>
    %eq3A_648 = vector.broadcast %slice3A_647 : vector<1x1024xi32> to vector<32x1024xi32>
    %eq3A_649 = arith.cmpi eq, %eq3A_648, %iota3A : vector<32x1024xi32>
    %slice3A_650 = vector.extract_strided_slice %select_n3A_221 {offsets = [26, 0], sizes = [1, 1024], strides = [1, 1]} : vector<32x1024xf32> to vector<1x1024xf32>
    %jit3A_651 = arith.constant 0.000000e+00 : f32
    %broadcast_in_dim3A_652 = vector.shape_cast %slice3A_650 : vector<1x1024xf32> to vector<1x1024xf32>
    %broadcast_in_dim3A_653 = vector.broadcast %broadcast_in_dim3A_652 : vector<1x1024xf32> to vector<32x1024xf32>
    %broadcast_in_dim3A_654 = vector.broadcast %jit3A_651 : f32 to vector<32x1024xf32>
    %select_n3A_655 = arith.select %eq3A_649, %broadcast_in_dim3A_653, %broadcast_in_dim3A_654 : vector<32x1024xi1>, vector<32x1024xf32>
    %add3A_656 = arith.addf %add3A_646, %select_n3A_655 : vector<32x1024xf32>
    %slice3A_657 = vector.extract_strided_slice %add3A_385 {offsets = [27, 0], sizes = [1, 1024], strides = [1, 1]} : vector<32x1024xi32> to vector<1x1024xi32>
    %eq3A_658 = vector.broadcast %slice3A_657 : vector<1x1024xi32> to vector<32x1024xi32>
    %eq3A_659 = arith.cmpi eq, %eq3A_658, %iota3A : vector<32x1024xi32>
    %slice3A_660 = vector.extract_strided_slice %select_n3A_221 {offsets = [27, 0], sizes = [1, 1024], strides = [1, 1]} : vector<32x1024xf32> to vector<1x1024xf32>
    %jit3A_661 = arith.constant 0.000000e+00 : f32
    %broadcast_in_dim3A_662 = vector.shape_cast %slice3A_660 : vector<1x1024xf32> to vector<1x1024xf32>
    %broadcast_in_dim3A_663 = vector.broadcast %broadcast_in_dim3A_662 : vector<1x1024xf32> to vector<32x1024xf32>
    %broadcast_in_dim3A_664 = vector.broadcast %jit3A_661 : f32 to vector<32x1024xf32>
    %select_n3A_665 = arith.select %eq3A_659, %broadcast_in_dim3A_663, %broadcast_in_dim3A_664 : vector<32x1024xi1>, vector<32x1024xf32>
    %add3A_666 = arith.addf %add3A_656, %select_n3A_665 : vector<32x1024xf32>
    %slice3A_667 = vector.extract_strided_slice %add3A_385 {offsets = [28, 0], sizes = [1, 1024], strides = [1, 1]} : vector<32x1024xi32> to vector<1x1024xi32>
    %eq3A_668 = vector.broadcast %slice3A_667 : vector<1x1024xi32> to vector<32x1024xi32>
    %eq3A_669 = arith.cmpi eq, %eq3A_668, %iota3A : vector<32x1024xi32>
    %slice3A_670 = vector.extract_strided_slice %select_n3A_221 {offsets = [28, 0], sizes = [1, 1024], strides = [1, 1]} : vector<32x1024xf32> to vector<1x1024xf32>
    %jit3A_671 = arith.constant 0.000000e+00 : f32
    %broadcast_in_dim3A_672 = vector.shape_cast %slice3A_670 : vector<1x1024xf32> to vector<1x1024xf32>
    %broadcast_in_dim3A_673 = vector.broadcast %broadcast_in_dim3A_672 : vector<1x1024xf32> to vector<32x1024xf32>
    %broadcast_in_dim3A_674 = vector.broadcast %jit3A_671 : f32 to vector<32x1024xf32>
    %select_n3A_675 = arith.select %eq3A_669, %broadcast_in_dim3A_673, %broadcast_in_dim3A_674 : vector<32x1024xi1>, vector<32x1024xf32>
    %add3A_676 = arith.addf %add3A_666, %select_n3A_675 : vector<32x1024xf32>
    %slice3A_677 = vector.extract_strided_slice %add3A_385 {offsets = [29, 0], sizes = [1, 1024], strides = [1, 1]} : vector<32x1024xi32> to vector<1x1024xi32>
    %eq3A_678 = vector.broadcast %slice3A_677 : vector<1x1024xi32> to vector<32x1024xi32>
    %eq3A_679 = arith.cmpi eq, %eq3A_678, %iota3A : vector<32x1024xi32>
    %slice3A_680 = vector.extract_strided_slice %select_n3A_221 {offsets = [29, 0], sizes = [1, 1024], strides = [1, 1]} : vector<32x1024xf32> to vector<1x1024xf32>
    %jit3A_681 = arith.constant 0.000000e+00 : f32
    %broadcast_in_dim3A_682 = vector.shape_cast %slice3A_680 : vector<1x1024xf32> to vector<1x1024xf32>
    %broadcast_in_dim3A_683 = vector.broadcast %broadcast_in_dim3A_682 : vector<1x1024xf32> to vector<32x1024xf32>
    %broadcast_in_dim3A_684 = vector.broadcast %jit3A_681 : f32 to vector<32x1024xf32>
    %select_n3A_685 = arith.select %eq3A_679, %broadcast_in_dim3A_683, %broadcast_in_dim3A_684 : vector<32x1024xi1>, vector<32x1024xf32>
    %add3A_686 = arith.addf %add3A_676, %select_n3A_685 : vector<32x1024xf32>
    %slice3A_687 = vector.extract_strided_slice %add3A_385 {offsets = [30, 0], sizes = [1, 1024], strides = [1, 1]} : vector<32x1024xi32> to vector<1x1024xi32>
    %eq3A_688 = vector.broadcast %slice3A_687 : vector<1x1024xi32> to vector<32x1024xi32>
    %eq3A_689 = arith.cmpi eq, %eq3A_688, %iota3A : vector<32x1024xi32>
    %slice3A_690 = vector.extract_strided_slice %select_n3A_221 {offsets = [30, 0], sizes = [1, 1024], strides = [1, 1]} : vector<32x1024xf32> to vector<1x1024xf32>
    %jit3A_691 = arith.constant 0.000000e+00 : f32
    %broadcast_in_dim3A_692 = vector.shape_cast %slice3A_690 : vector<1x1024xf32> to vector<1x1024xf32>
    %broadcast_in_dim3A_693 = vector.broadcast %broadcast_in_dim3A_692 : vector<1x1024xf32> to vector<32x1024xf32>
    %broadcast_in_dim3A_694 = vector.broadcast %jit3A_691 : f32 to vector<32x1024xf32>
    %select_n3A_695 = arith.select %eq3A_689, %broadcast_in_dim3A_693, %broadcast_in_dim3A_694 : vector<32x1024xi1>, vector<32x1024xf32>
    %add3A_696 = arith.addf %add3A_686, %select_n3A_695 : vector<32x1024xf32>
    %slice3A_697 = vector.extract_strided_slice %add3A_385 {offsets = [31, 0], sizes = [1, 1024], strides = [1, 1]} : vector<32x1024xi32> to vector<1x1024xi32>
    %eq3A_698 = vector.broadcast %slice3A_697 : vector<1x1024xi32> to vector<32x1024xi32>
    %eq3A_699 = arith.cmpi eq, %eq3A_698, %iota3A : vector<32x1024xi32>
    %slice3A_700 = vector.extract_strided_slice %select_n3A_221 {offsets = [31, 0], sizes = [1, 1024], strides = [1, 1]} : vector<32x1024xf32> to vector<1x1024xf32>
    %jit3A_701 = arith.constant 0.000000e+00 : f32
    %broadcast_in_dim3A_702 = vector.shape_cast %slice3A_700 : vector<1x1024xf32> to vector<1x1024xf32>
    %broadcast_in_dim3A_703 = vector.broadcast %broadcast_in_dim3A_702 : vector<1x1024xf32> to vector<32x1024xf32>
    %broadcast_in_dim3A_704 = vector.broadcast %jit3A_701 : f32 to vector<32x1024xf32>
    %select_n3A_705 = arith.select %eq3A_699, %broadcast_in_dim3A_703, %broadcast_in_dim3A_704 : vector<32x1024xi1>, vector<32x1024xf32>
    %add3A_706 = arith.addf %add3A_696, %select_n3A_705 : vector<32x1024xf32>
    %swap3A = arith.constant 0 : index
    %swap3A_707 = arith.constant 0 : index
    %swap3A_708 = vector.load %arg4[%swap3A, %swap3A_707] : memref<32x1024xf32, #tpu.memory_space<vmem>>, vector<32x1024xf32>
    tpu.vector_store %arg4[%swap3A, %swap3A_707], %add3A_706 {strides = array<i32>} : memref<32x1024xf32, #tpu.memory_space<vmem>>, vector<32x1024xf32>,
    return
  }
  func.func @transform_0(%arg0: i32) -> (i32, i32) {
    %c0_i32 = arith.constant 0 : i32
    %c0_i32_0 = arith.constant 0 : i32
    return %c0_i32, %arg0 : i32, i32
  }
  func.func @transform_1(%arg0: i32) -> (i32, i32) {
    %c0_i32 = arith.constant 0 : i32
    %c0_i32_0 = arith.constant 0 : i32
    return %c0_i32, %arg0 : i32, i32
  }
  func.func @transform_2(%arg0: i32) -> (i32, i32) {
    %c0_i32 = arith.constant 0 : i32
    %c0_i32_0 = arith.constant 0 : i32
    %c0_i32_1 = arith.constant 0 : i32
    return %c0_i32, %c0_i32_0 : i32, i32
  }
  func.func @transform_3(%arg0: i32) -> (i32, i32) {
    %c0_i32 = arith.constant 0 : i32
    %c0_i32_0 = arith.constant 0 : i32
    return %c0_i32, %arg0 : i32, i32
  }
}

</mosaic_0001>

<sc_bundles>
// kernel: kernel.6.cloned.1.call-start
scs
__scs_entry_jumppad:
0x0: {  	(pc) =	sbr.rel $0x88, $3  }
0x1: {  	(tag) =	ssettag $0x0;
	lr =	simm.s32 $0x1  }
0x2: {  	[smem:$0x3F9B] =	sst lr;
	_ =	strace $0xD0000000  }
0x3: {  	_ = 	snop  }
0x4: {  	_ = 	snop  }
0x5: {  	_ = 	snop  }
0x6: {  	_ = 	snop  }
0x7: {  	_ = 	snop  }
__scs_overlays_trampoline_lowered:
0x8: {  	[smem:$0x3FAA] =	sst s0  }
0x9: {  	[smem:$0x3FAB] =	sst s1  }
0xa: {  	[smem:$0x3FAC] =	sst s2  }
0xb: {  	[smem:$0x3FAD] =	sst s3  }
0xc: {  	[smem:$0x3FAE] =	sst s4  }
0xd: {  	[smem:$0x3FAF] =	sst s5  }
0xe: {  	[smem:$0x3FB0] =	sst s6  }
0xf: {  	[smem:$0x3FB1] =	sst s7  }
0x10: {  	[smem:$0x3FB2] =	sst s8  }
0x11: {  	[smem:$0x3FB3] =	sst s9;
	s0 =	simm.s32 @!p0 $0x0  }
0x12: {  	s1 =	sld [smem:$0x3F99];
	s0 =	simm.s32 @p0 $0x1  }
0x13: {  	[smem:$0x3FB4] =	sst s0;
	s0 =	simm.s32 @!p1 $0x0  }
0x14: {  	s2 =	sld [smem:$0x3F98];
	s0 =	simm.s32 @p1 $0x1  }
0x15: {  	[smem:$0x3FB5] =	sst s0;
	s0 =	simm.s32 @!p2 $0x0  }
0x16: {  	s3 =	sld [smem:$0x3FDB];
	s0 =	simm.s32 @p2 $0x1  }
0x17: {  	s4 =	simm.s32 $0x1BF5;
	[smem:$0x3FB7] =	sst s0  }
0x18: {  	s0 =	sld [smem:$0x3F9A];
	_ =	swait.ge [sflag:s4], $0x0  }
0x19: {  	s7 =	sld [smem:$0x3F9B]  }
0x1a: {  	s8 =	sadd.s32 $0xFFFFE003, lr  }
0x1b: {  	s9 =	sadd.s32 $0xFFFFFEF7, lr;
	s5 =	simm.s32 $0xFFFFFFFF;
	p2 =	slt.u32 s8, $0xFFFFF086  }
0x1c: {  	p1 =	slt.u32 s9, $0xF7A;
	s5 =	simm.s32 @!p2 $0x0  }
0x1d: {  	s5 =	simm.s32 @p1 $0x1;
	p0 =	seq.s32 s7, s2  }
0x1e: {  	s7 =	smul.u32 @!p0 $0xF7A, s2;
	p2 =	seq.s32 @!p0 s5, $0x0  }
0x1f: {  	s9 =	smul.u32 $0xF7A, s1;
	s8 =	simm.s32 @!p0 $0x1BF5;
	p2 =	por !p2, p0  }
0x20: {  	[sflag:s8] =	ssyncset.s32 @!p0 $0xFFFFF086;
	s6 =	sadd.s32 @!p0 s3, s7;
	s7 =	simm.s32 @!p0 $0x108  }
0x21: {  	s3 =	sadd.s32 s3, s9;
	s6 =	sadd.s32 @!p0 $0x88, s6;
	s7 =	simm.s32 @p2 $0x1082  }
0x22: {  	[simem:s7], [sflag:s8] =	dma.local @!p0 [hbm:s6], $0xF7A  }
0x23: {  	s9 =	sor.u32 $0xD0000000, s2;
	s6 =	simm.s32 $0x108;
	_ =	swait.ge @!p0 [sflag:s8], $0x0  }
0x24: {  	s3 =	sadd.s32 $0x88, s3;
	s6 =	simm.s32 @!p1 $0x1082;
	[sflag:s4] =	ssyncset.s32 $0xFFFFF086  }
0x25: {  	[simem:s6], [sflag:s4] =	dma.local [hbm:s3], $0xF7A  }
0x26: {  	[smem:$0x3F9B] =	sst s1;
	(tag) =	ssettag s2;
	_ =	strace s9  }
0x27: {  	s1 =	sld [smem:$0x3FAB]  }
0x28: {  	s2 =	sld [smem:$0x3FAC]  }
0x29: {  	s4 =	sld [smem:$0x3FAE]  }
0x2a: {  	p0 =	seq.s32 s5, $0x0;
	s5 =	sld [smem:$0x3FAF]  }
0x2b: {  	s6 =	sld [smem:$0x3FB0]  }
0x2c: {  	s7 =	sld [smem:$0x3FB1]  }
0x2d: {  	s3 =	simm.s32 $0x108;
	s8 =	sld [smem:$0x3FB2]  }
0x2e: {  	s3 =	simm.s32 @!p0 $0x1082;
	s9 =	sld [smem:$0x3FB3]  }
0x2f: {  	lr =	sadd.s32 s0, s3;
	s0 =	sld [smem:$0x3FAA]  }
0x30: {  	s3 =	sld [smem:$0x3FAD]  }
0x31: {  	[smem:$0x3FB6] =	sst s10  }
0x32: {  	s10 =	sld [smem:$0x3FB4];
	_ =	sdelay $0x3  }
0x33: {  	p0 =	seq.s32 s10, $0x1;
	s10 =	sld [smem:$0x3FB6];
	_ =	sdelay $0x3  }
0x34: {  	[smem:$0x3FB6] =	sst s10  }
0x35: {  	s10 =	sld [smem:$0x3FB5];
	_ =	sdelay $0x3  }
0x36: {  	p1 =	seq.s32 s10, $0x1;
	s10 =	sld [smem:$0x3FB6];
	_ =	sdelay $0x3  }
0x37: {  	[smem:$0x3FB6] =	sst s10  }
0x38: {  	s10 =	sld [smem:$0x3FB7]  }
0x39: {  	_ = 	snop;
	(pc) =	sbr.ind lr, $3  }
0x3a: {  	_ = 	snop  }
0x3b: {  	_ = 	snop  }
0x3c: {  	p2 =	seq.s32 s10, $0x1;
	s10 =	sld [smem:$0x3FB6]  }
0x3d: {  	_ =	shalt  }
0x3e: {  	_ =	shalt  }
0x3f: {  	_ =	shalt  }
0x40: {  	_ =	shalt  }
0x41: {  	_ =	shalt  }
0x42: {  	_ =	shalt  }
0x43: {  	_ =	shalt  }
0x44: {  	_ =	shalt  }
0x45: {  	_ =	shalt  }
0x46: {  	_ =	shalt  }
0x47: {  	_ =	shalt  }
0x48: {  	_ =	shalt  }
0x49: {  	_ =	shalt  }
0x4a: {  	_ =	shalt  }
0x4b: {  	_ =	shalt  }
0x4c: {  	_ =	shalt  }
0x4d: {  	_ =	shalt  }
0x4e: {  	_ =	shalt  }
0x4f: {  	_ =	shalt  }
0x50: {  	_ =	shalt  }
0x51: {  	_ =	shalt  }
0x52: {  	_ =	shalt  }
0x53: {  	_ =	shalt  }
0x54: {  	_ =	shalt  }
0x55: {  	_ =	shalt  }
0x56: {  	_ =	shalt  }
0x57: {  	_ =	shalt  }
0x58: {  	_ =	shalt  }
0x59: {  	_ =	shalt  }
0x5a: {  	_ =	shalt  }
0x5b: {  	_ =	shalt  }
0x5c: {  	_ =	shalt  }
0x5d: {  	_ =	shalt  }
0x5e: {  	_ =	shalt  }
0x5f: {  	_ =	shalt  }
0x60: {  	_ =	shalt  }
0x61: {  	_ =	shalt  }
0x62: {  	_ =	shalt  }
0x63: {  	_ =	shalt  }
0x64: {  	_ =	shalt  }
0x65: {  	_ =	shalt  }
0x66: {  	_ =	shalt  }
0x67: {  	_ =	shalt  }
0x68: {  	_ =	shalt  }
0x69: {  	_ =	shalt  }
0x6a: {  	_ =	shalt  }
0x6b: {  	_ =	shalt  }
0x6c: {  	_ =	shalt  }
0x6d: {  	_ =	shalt  }
0x6e: {  	_ =	shalt  }
0x6f: {  	_ =	shalt  }
0x70: {  	_ =	shalt  }
0x71: {  	_ =	shalt  }
0x72: {  	_ =	shalt  }
0x73: {  	_ =	shalt  }
0x74: {  	_ =	shalt  }
0x75: {  	_ =	shalt  }
0x76: {  	_ =	shalt  }
0x77: {  	_ =	shalt  }
0x78: {  	_ =	shalt  }
0x79: {  	_ =	shalt  }
0x7a: {  	_ =	shalt  }
0x7b: {  	_ =	shalt  }
0x7c: {  	_ =	shalt  }
0x7d: {  	_ =	shalt  }
0x7e: {  	_ =	shalt  }
0x7f: {  	_ =	shalt  }
0x80: {  	_ =	shalt  }
0x81: {  	_ =	shalt  }
0x82: {  	_ =	shalt  }
0x83: {  	_ =	shalt  }
0x84: {  	_ =	shalt  }
0x85: {  	_ =	shalt  }
0x86: {  	_ =	shalt  }
0x87: {  	_ =	shalt  }
.Lfunc_end0:
.L_simem_size_0:
called_computation_lowered:
.L_overlay_start_0:
0x88: {  	s2 =	sld [smem:$0x3FD9]  }
0x89: {  	s3 =	sld [smem:$0x3FFE];
	_ =	sdelay $0x1  }
0x8a: {  	s1 =	srdreg.scid  }
0x8b: {  	s0 =	sand.u32 $0x1, s1  }
0x8c: {  	s16 =	sshll.u32 s0, $0xA;
	s2 =	sadd.s32 s3, s2  }
0x8d: {  	s2 =	sadd.s32 s2, s16  }
0x8e: {  	[smem:$0x3FC2] =	sst s2  }
0x8f: {  	_ = 	snop  }
0x90: {  	(tm) =	ssettm $0x1  }
0x91: {  	s17 =	sld [smem:$0x3FFB];
	_ =	sdelay $0x3  }
0x92: {  	_ =	strace s17  }
0x93: {  	s2 =	sld [smem:$0x3FFC];
	_ =	sdelay $0x3  }
0x94: {  	_ =	strace s2  }
0x95: {  	s2 =	sld [smem:$0x3FFD];
	_ =	sdelay $0x3  }
0x96: {  	_ =	strace s2  }
0x97: {  	_ =	strace $0x8FFFFFFF  }
0x98: {  	s18 =	sld [smem:$0x3FDB];
	_ =	sdelay $0x1  }
0x99: {  	s19 =	simm.s32 $_scs_section_size  }
0x9a: {  	s4 =	simm.s32 $_size__tile_overlayer_lowered;
	s5 =	simm.s32 $_tile_overlayer_lowered  }
0x9b: {  	s22 =	simm.s32 $0x1BFF;
	s21 =	sshll.u32 s5, $0x1;
	s2 =	sadd.s32 s19, s18  }
0x9c: {  	s6 =	simm.s32 $0x0;
	s20 =	sshll.u32 s4, $0x1;
	s4 =	sadd.s32 s21, s2  }
0x9d: {  	[timem:s6], [sflag:s22] =	dma.local [hbm:s4], s20  }
0x9e: {  	_ =	swait.ge [sflag:s22], s20  }
0x9f: {  	s3 =	ssub.s32 $0x0, s20;
	[sflag:s22] =	ssyncset.done $0x0  }
0xa0: {  	[sflag:s22] =	ssyncadd.s32 s3;
	_ =	sdelay $0x1  }
0xa1: {  	s23 =	simm.s32 $0x1B8B  }
0xa2: {  	_ =	swait.ge [sflag:s23], $0x1  }
0xa3: {  	[sflag:s23] =	ssyncset.done $0x0  }
0xa4: {  	s25 =	simm.s32 $0x1B8E;
	s24 =	sld [smem:$0x3FFE];
	[sflag:s23] =	ssyncadd.s32 $0xFFFFFFFF  }
0xa5: {  	s26 =	simm.s32 $execute0_lowered;
	[smem:$0x3FD2] =	sst s25  }
0xa6: {  	s4 =	sshll.u32 s26, $0x1;
	_ =	strace $0x80000046;
	[dreg:$0x1] =	wrdreg $0xFFFFFFFF  }
0xa7: {  	s28 =	simm.s32 $_size_execute0_lowered;
	s2 =	sadd.s32 s2, s4;
	[dreg:$0x0] =	wrdreg $0x0  }
0xa8: {  	s4 =	sshll.u32 s28, $0x1;
	[dreg:$0x2] =	wrdreg s2  }
0xa9: {  	[dreg:$0x3] =	wrdreg s4  }
0xaa: {  	[dreg:$0x4] =	wrdreg $0xC0  }
0xab: {  	_ =	task [dreg:s6], $0x5FFFF  }
0xac: {  	[dreg:$0x1] =	wrdreg $0xFFFFFFFF  }
0xad: {  	[dreg:$0x0] =	wrdreg $0x60  }
0xae: {  	[dreg:$0x2] =	wrdreg s24  }
0xaf: {  	[dreg:$0x3] =	wrdreg $0x9  }
0xb0: {  	_ =	task.clear_ibuf [dreg:s6], $0x4FFFF;
	_ =	strace $0x90000046  }
0xb1: {  	s29 =	simm.s32 $0x9;
	_ =	strace $0x80000048  }
0xb2: {  	_ =	swait.ge [sflag:s29], $0x1  }
0xb3: {  	[sflag:s29] =	ssyncadd.s32 $0xFFFFFFFF  }
0xb4: {  	_ =	strace $0x90000048  }
0xb5: {  	_ =	sfence  }
0xb6: {  	s30 =	sld [smem:$0x0];
	_ =	sdelay $0x2  }
0xb7: {  	s31 =	sshll.u32 s1, $0xD;
	s1 =	sshrl.u32 s1, $0x2  }
0xb8: {  	s3 =	sand.u32 $0x4000, s31;
	s1 =	sadd.s32 s1, s30  }
0xb9: {  	s0 =	sor.u32 s3, s0;
	s1 =	sshll.u32 s1, $0x11  }
0xba: {  	s0 =	sor.u32 s1, s0  }
0xbb: {  	s0 =	sadd.s32 $0x8F2B, s0  }
0xbc: {  	[sflag:s0] =	ssyncadd.remote.s32 $0x1  }
0xbd: {  	_ =	sfence.sel $0xFFFF  }
0xbe: {  	[dreg:$0x0] =	wrdreg $0xFFFFFFFF;
	(pc) =	sbr.abs _section_cstart, $3  }
0xbf: {  	[dreg:$0x1] =	wrdreg $0xFFFFFFFF  }
0xc0: {  	_ =	task.clear_ibuf [dreg:s6], $0x2FFFF;
	_ =	strace $0x9FFFFFFF  }
0xc1: {  	(tm) =	ssettm $0x7FFFFFFF  }
tec
execute0_lowered:
.L_overlay_start_1:
0x0: {  	(tag) =	ssettag $0x1  }
0x1: {  	s1 =	srdreg.scid  }
0x2: {  	s0 =	stileid.u32;
	s5 =	rddreg [dreg:$0x0];
	s14 =	simm.s32 $0x80  }
0x3: {  	s15 =	simm.s32 $0x400;
	s16 =	simm.s32 $0x5;
	s17 =	simm.s32 $0x2800  }
0x4: {  	s18 =	simm.s32 $0x6800;
	s19 =	simm.s32 $0x100;
	s20 =	simm.s32 $0xA800  }
0x5: {  	s21 =	simm.s32 $0x180;
	s22 =	simm.s32 $0xE800;
	s23 =	simm.s32 $0x1  }
0x6: {  	s24 =	simm.s32 $0x2;
	s25 =	simm.s32 $0x3;
	s26 =	simm.s32 $0x4  }
0x7: {  	s28 =	simm.s32 $0x0;
	s1 =	sand.u32 $0x1, s1;
	s2 =	sshll.u32 s0, $0x1  }
0x8: {  	s29 =	sshrl.u32 s0, $0x2;
	s13 =	sadd.s32 $0x5BA00, s5;
	s8 =	smul.u32 $0x280000, s0  }
0x9: {  	s4 =	sor.u32 s1, s2;
	s3 =	smul.u32 $0x14000, s29;
	s2 =	simm.s32 $0x0  }
0xa: {  	s7 =	ssub.s32 $0x2, s1;
	s1 =	smul.u32 $0x140000, s1;
	s6 =	sshll.u32 s4, $0x7  }
0xb: {  	[smem:$0x7FF] =	sst s2;
	s4 =	smul.u32 $0x140000, s4;
	s30 =	sshrl.u32 s7, $0x1  }
0xc: {  	s6 =	sand.u32 $0x380, s6;
	_ =	strace $0x80000047;
	s1 =	sadd.s32 s1, s8  }
0xd: {  	s6 =	sor.u32 s3, s6;
	s3 =	sadd.s32 $0xBA00, s5;
	s31 =	sshrl.u32 s4, $0x3  }
0xe: {  	s10 =	sor.u32 $0xC000, s1;
	s11 =	sor.u32 $0x8000, s1;
	s12 =	sor.u32 $0x4000, s1  }
0xf: {  	s1 =	sshrl.u32 s1, $0x3;
	s6 =	sshrl.u32 s6, $0x3;
	s9 =	sadd.s32 s13, s31  }
0x10: {  	s10 =	sshrl.u32 s10, $0x3;
	s11 =	sshrl.u32 s11, $0x3;
	s12 =	sshrl.u32 s12, $0x3  }
0x11: {  	s6 =	sadd.s32 s6, s5;
	s5 =	ssub.s32 s7, s30;
	s7 =	sadd.s32 $0x26800, s9  }
0x12: {  	s8 =	sadd.s32 $0x27000, s9;
	s10 =	sadd.s32 s10, s13;
	s11 =	sadd.s32 s11, s13  }
0x13: {  	s12 =	sadd.s32 s12, s13;
	s13 =	sadd.s32 s1, s13;
	s4 =	sadd.s32 $0x1A00, s6  }
0x14: {  	s5 =	smax.u32 s5, $0x1;
	s6 =	sadd.s32 $0x26000, s9;
	s9 =	sadd.s32 $0x27800, s9  }
.LBB2_1:
0x15: {  	[tilespmem:s2], [sflag:$0x5] =	stream.strided.gather [hbm4b:s4+s14], $0x2800, s15, s14, $0x38;
	[tilespmem:$0x12800] =	vst v63  }
0x16: {  	_ =	swait.ge [sflag:s16], $0x2800  }
0x17: {  	[sflag:s16] =	ssyncset.done $0x0  }
0x18: {  	[sflag:s16] =	ssyncadd.s32 $0xFFFFD800  }
0x19: {  	[tilespmem:s17], [sflag:$0x1] =	stream.indirect.gather [hbm4b:s3+s14], $0x80, s2, s14, $0xb8;
	[tilespmem:$0x12800] =	vst v63  }
0x1a: {  	_ = 	snop  }
0x1b: {  	[tilespmem:s18], [sflag:$0x2] =	stream.indirect.gather [hbm4b:s3+s14], $0x80, s14, s14, $0xb8;
	[tilespmem:$0x12800] =	vst v63  }
0x1c: {  	_ = 	snop  }
0x1d: {  	[tilespmem:s20], [sflag:$0x3] =	stream.indirect.gather [hbm4b:s3+s14], $0x80, s19, s14, $0xb8;
	[tilespmem:$0x12800] =	vst v63  }
0x1e: {  	_ = 	snop  }
0x1f: {  	[tilespmem:s22], [sflag:$0x4] =	stream.indirect.gather [hbm4b:s3+s14], $0x80, s21, s14, $0xb8;
	[tilespmem:$0x12800] =	vst v63  }
0x20: {  	_ =	swait.ge [sflag:s23], $0x4000  }
0x21: {  	[sflag:s23] =	ssyncset.done $0x0  }
0x22: {  	s1 =	sadd.s32 $0x0, s13;
	[sflag:s23] =	ssyncadd.s32 $0xFFFFC000  }
0x23: {  	[hbm4b:s1+s2] =	stream.linear.scatter [tilespmem:s17], [sflag:$0x5], $0x4000, $0x38;
	[tilespmem:$0x12800] =	vst v63  }
0x24: {  	_ =	swait.ge [sflag:s16], $0x4000  }
0x25: {  	[sflag:s16] =	ssyncset.done $0x0  }
0x26: {  	s0 =	simm.s32 $0x200;
	[sflag:s16] =	ssyncadd.s32 $0xFFFFC000  }
0x27: {  	[tilespmem:s17], [sflag:$0x1] =	stream.indirect.gather [hbm4b:s3+s14], $0x80, s0, s14, $0xb8;
	[tilespmem:$0x12800] =	vst v63  }
0x28: {  	_ =	swait.ge [sflag:s24], $0x4000  }
0x29: {  	[sflag:s24] =	ssyncset.done $0x0  }
0x2a: {  	s0 =	sadd.s32 $0x0, s12;
	[sflag:s24] =	ssyncadd.s32 $0xFFFFC000  }
0x2b: {  	[hbm4b:s0+s2] =	stream.linear.scatter [tilespmem:s18], [sflag:$0x5], $0x4000, $0x38;
	[tilespmem:$0x12800] =	vst v63  }
0x2c: {  	_ =	swait.ge [sflag:s16], $0x4000  }
0x2d: {  	[sflag:s16] =	ssyncset.done $0x0  }
0x2e: {  	s0 =	simm.s32 $0x280;
	[sflag:s16] =	ssyncadd.s32 $0xFFFFC000  }
0x2f: {  	[tilespmem:s18], [sflag:$0x2] =	stream.indirect.gather [hbm4b:s3+s14], $0x80, s0, s14, $0xb8;
	[tilespmem:$0x12800] =	vst v63  }
0x30: {  	_ =	swait.ge [sflag:s25], $0x4000  }
0x31: {  	[sflag:s25] =	ssyncset.done $0x0  }
0x32: {  	s0 =	sadd.s32 $0x0, s11;
	[sflag:s25] =	ssyncadd.s32 $0xFFFFC000  }
0x33: {  	[hbm4b:s0+s2] =	stream.linear.scatter [tilespmem:s20], [sflag:$0x5], $0x4000, $0x38;
	[tilespmem:$0x12800] =	vst v63  }
0x34: {  	_ =	swait.ge [sflag:s16], $0x4000  }
0x35: {  	[sflag:s16] =	ssyncset.done $0x0  }
0x36: {  	s0 =	simm.s32 $0x300;
	[sflag:s16] =	ssyncadd.s32 $0xFFFFC000  }
0x37: {  	[tilespmem:s20], [sflag:$0x3] =	stream.indirect.gather [hbm4b:s3+s14], $0x80, s0, s14, $0xb8;
	[tilespmem:$0x12800] =	vst v63  }
0x38: {  	_ =	swait.ge [sflag:s26], $0x4000  }
0x39: {  	[sflag:s26] =	ssyncset.done $0x0  }
0x3a: {  	s0 =	sadd.s32 $0x0, s10;
	[sflag:s26] =	ssyncadd.s32 $0xFFFFC000  }
0x3b: {  	[hbm4b:s0+s2] =	stream.linear.scatter [tilespmem:s22], [sflag:$0x5], $0x4000, $0x38;
	[tilespmem:$0x12800] =	vst v63  }
0x3c: {  	_ =	swait.ge [sflag:s16], $0x4000  }
0x3d: {  	s29 =	simm.s32 $0x380;
	[sflag:s16] =	ssyncset.done $0x0  }
0x3e: {  	s30 =	simm.s32 $0x2000;
	s31 =	simm.s32 $0x580;
	[sflag:s16] =	ssyncadd.s32 $0xFFFFC000  }
.LBB2_2:
0x3f: {  	[tilespmem:s22], [sflag:$0x4] =	stream.indirect.gather [hbm4b:s3+s14], $0x80, s29, s14, $0xb8;
	[tilespmem:$0x12800] =	vst v63  }
0x40: {  	s1 =	smov.u32 s30;
	s29 =	smov.u32 s31  }
0x41: {  	p0 =	sne.s32 s30, $0x24000;
	s30 =	sadd.s32 $0x2000, s30;
	_ =	swait.ge [sflag:s23], $0x4000  }
0x42: {  	[sflag:s23] =	ssyncset.done $0x0  }
0x43: {  	s0 =	sadd.s32 s1, s13;
	[sflag:s23] =	ssyncadd.s32 $0xFFFFC000  }
0x44: {  	[hbm4b:s0+s2] =	stream.linear.scatter [tilespmem:s17], [sflag:$0x5], $0x4000, $0x38;
	[tilespmem:$0x12800] =	vst v63  }
0x45: {  	_ =	swait.ge [sflag:s16], $0x4000  }
0x46: {  	[sflag:s16] =	ssyncset.done $0x0  }
0x47: {  	s0 =	sadd.s32 $0xFFFFFE80, s31;
	[sflag:s16] =	ssyncadd.s32 $0xFFFFC000  }
0x48: {  	[tilespmem:s17], [sflag:$0x1] =	stream.indirect.gather [hbm4b:s3+s14], $0x80, s0, s14, $0xb8;
	[tilespmem:$0x12800] =	vst v63  }
0x49: {  	_ =	swait.ge [sflag:s24], $0x4000  }
0x4a: {  	[sflag:s24] =	ssyncset.done $0x0  }
0x4b: {  	s0 =	sadd.s32 s1, s12;
	[sflag:s24] =	ssyncadd.s32 $0xFFFFC000  }
0x4c: {  	[hbm4b:s0+s2] =	stream.linear.scatter [tilespmem:s18], [sflag:$0x5], $0x4000, $0x38;
	[tilespmem:$0x12800] =	vst v63  }
0x4d: {  	_ =	swait.ge [sflag:s16], $0x4000  }
0x4e: {  	[sflag:s16] =	ssyncset.done $0x0  }
0x4f: {  	s0 =	sadd.s32 $0xFFFFFF00, s31;
	[sflag:s16] =	ssyncadd.s32 $0xFFFFC000  }
0x50: {  	[tilespmem:s18], [sflag:$0x2] =	stream.indirect.gather [hbm4b:s3+s14], $0x80, s0, s14, $0xb8;
	[tilespmem:$0x12800] =	vst v63  }
0x51: {  	_ =	swait.ge [sflag:s25], $0x4000  }
0x52: {  	[sflag:s25] =	ssyncset.done $0x0  }
0x53: {  	s0 =	sadd.s32 s1, s11;
	[sflag:s25] =	ssyncadd.s32 $0xFFFFC000  }
0x54: {  	[hbm4b:s0+s2] =	stream.linear.scatter [tilespmem:s20], [sflag:$0x5], $0x4000, $0x38;
	[tilespmem:$0x12800] =	vst v63  }
0x55: {  	_ =	swait.ge [sflag:s16], $0x4000  }
0x56: {  	[sflag:s16] =	ssyncset.done $0x0  }
0x57: {  	s0 =	sadd.s32 $0xFFFFFF80, s31;
	[sflag:s16] =	ssyncadd.s32 $0xFFFFC000  }
0x58: {  	[tilespmem:s20], [sflag:$0x3] =	stream.indirect.gather [hbm4b:s3+s14], $0x80, s0, s14, $0xb8;
	[tilespmem:$0x12800] =	vst v63  }
0x59: {  	_ =	swait.ge [sflag:s26], $0x4000  }
0x5a: {  	[sflag:s26] =	ssyncset.done $0x0  }
.Ltmp0:
0x5b: {  	s0 =	sadd.s32 s1, s10;
	[sflag:s26] =	ssyncadd.s32 $0xFFFFC000;
	(pc) =	sbr.rel @p0 .LBB2_2-.Ltmp0, $4  }
0x5c: {  	[hbm4b:s0+s2] =	stream.linear.scatter [tilespmem:s22], [sflag:$0x5], $0x4000, $0x38;
	[tilespmem:$0x12800] =	vst v63  }
0x5d: {  	_ =	swait.ge [sflag:s16], $0x4000  }
0x5e: {  	[sflag:s16] =	ssyncset.done $0x0  }
0x5f: {  	s31 =	sadd.s32 $0x200, s31;
	[sflag:s16] =	ssyncadd.s32 $0xFFFFC000  }
0x60: {  	[tilespmem:s22], [sflag:$0x4] =	stream.indirect.gather [hbm4b:s3+s14], $0x80, s29, s14, $0xb8;
	[tilespmem:$0x12800] =	vst v63  }
0x61: {  	_ =	swait.ge [sflag:s23], $0x4000  }
0x62: {  	[sflag:s23] =	ssyncset.done $0x0  }
0x63: {  	[sflag:s23] =	ssyncadd.s32 $0xFFFFC000  }
0x64: {  	[hbm4b:s6+s2] =	stream.linear.scatter [tilespmem:s17], [sflag:$0x5], $0x4000, $0x38;
	[tilespmem:$0x12800] =	vst v63  }
0x65: {  	_ =	swait.ge [sflag:s16], $0x4000  }
0x66: {  	[sflag:s16] =	ssyncset.done $0x0  }
0x67: {  	[sflag:s16] =	ssyncadd.s32 $0xFFFFC000  }
0x68: {  	_ =	swait.ge [sflag:s24], $0x4000  }
0x69: {  	[sflag:s24] =	ssyncset.done $0x0  }
0x6a: {  	[sflag:s24] =	ssyncadd.s32 $0xFFFFC000  }
0x6b: {  	[hbm4b:s7+s2] =	stream.linear.scatter [tilespmem:s18], [sflag:$0x5], $0x4000, $0x38;
	[tilespmem:$0x12800] =	vst v63  }
0x6c: {  	_ =	swait.ge [sflag:s16], $0x4000  }
0x6d: {  	[sflag:s16] =	ssyncset.done $0x0  }
0x6e: {  	[sflag:s16] =	ssyncadd.s32 $0xFFFFC000  }
0x6f: {  	_ =	swait.ge [sflag:s25], $0x4000  }
0x70: {  	[sflag:s25] =	ssyncset.done $0x0  }
0x71: {  	[sflag:s25] =	ssyncadd.s32 $0xFFFFC000  }
0x72: {  	[hbm4b:s8+s2] =	stream.linear.scatter [tilespmem:s20], [sflag:$0x5], $0x4000, $0x38;
	[tilespmem:$0x12800] =	vst v63  }
0x73: {  	_ =	swait.ge [sflag:s16], $0x4000  }
0x74: {  	[sflag:s16] =	ssyncset.done $0x0  }
0x75: {  	[sflag:s16] =	ssyncadd.s32 $0xFFFFC000  }
0x76: {  	s28 =	sadd.s32 $0x1, s28;
	_ =	swait.ge [sflag:s26], $0x4000  }
0x77: {  	p0 =	sne.s32 s28, s5;
	[sflag:s26] =	ssyncset.done $0x0  }
.Ltmp1:
0x78: {  	[sflag:s26] =	ssyncadd.s32 $0xFFFFC000;
	(pc) =	sbr.rel @p0 .LBB2_1-.Ltmp1, $4  }
0x79: {  	[hbm4b:s9+s2] =	stream.linear.scatter [tilespmem:s22], [sflag:$0x5], $0x4000, $0x38;
	[tilespmem:$0x12800] =	vst v63  }
0x7a: {  	_ =	swait.ge [sflag:s16], $0x4000  }
0x7b: {  	[sflag:s16] =	ssyncset.done $0x0  }
0x7c: {  	[sflag:s16] =	ssyncadd.s32 $0xFFFFC000  }
0x7d: {  	_ =	sfence.sel $0x180000  }
0x7e: {  	[bflag:$0x0] =	sbarrier.arrive $0xFFFF  }
0x7f: {  	_ =	strace $0x90000047  }
0x80: {  	s0 =	stileid.u32;
	[bflag:$0x2] =	sbarrier.arrive $0xFFFF  }
0x81: {  	p0 =	sne.s32 s0, $0x0;
	s0 =	rddreg [dreg:$0x1]  }
0x82: {  	s0 =	sadd.s32 @!p0 $0x100000, s0  }
0x83: {  	[sflag:s0] =	ssyncadd.tile.s32 @!p0 $0x1;
	_ =	shalt  }
.Lfunc_end2:
_tile_overlayer_lowered:
.L_overlay_start_2:
0x84: {  	(tag) =	ssettag $0x2  }
0x85: {  	s0 =	rddreg [dreg:$0x0];
	s2 =	stileid.u32  }
0x86: {  	s1 =	rddreg [dreg:$0x1];
	p0 =	sne.s32 s2, $0x0  }
0x87: {  	s3 =	rddreg [dreg:$0x2];
	[bflag:$0x3] =	sbarrier.arrive $0xFFFF;
	s2 =	simm.s32 @!p0 $0x1C05  }
0x88: {  	[timem:s3], [sflag:s2] =	dma.local @!p0 [hbm:s0], s1  }
0x89: {  	s0 =	simm.s32 @!p0 $0x5  }
0x8a: {  	_ =	swait.ge @!p0 [sflag:s0], s1  }
0x8b: {  	s1 =	ssub.s32 @!p0 $0x0, s1;
	[sflag:s0] =	ssyncset.done @!p0 $0x0  }
0x8c: {  	[sflag:s0] =	ssyncadd.s32 @!p0 s1  }
0x8d: {  	[bflag:$0x3] =	sbarrier.arrive $0xFFFF  }
0x8e: {  	_ =	shalt  }

</sc_bundles>
